<compile_context>
chip_gen: v7x
topology: tpu7x:2x2x1
jax: 0.10.2.dev20260603
libtpu: 0.0.44.dev20260713+nightly
codegen_flags: <defaults>
</compile_context>

<pallas_src>
import functools

import jax
import jax.numpy as jnp
from jax import lax
from jax.experimental import pallas as pl
from jax.experimental.pallas import tpu as pltpu
from jax.experimental.pallas import tpu_sc as plsc

_NC = 2
_NS = 16
_NL = 16
_NW = _NC * _NS

_G = 64




def _mm_body(x_ref, w_ref, o_ref):
    o_ref[...] = jnp.dot(x_ref[...], w_ref[...],
                         preferred_element_type=jnp.float32)


def _matmul(x, w, block_rows):
    n, k = x.shape
    m = w.shape[1]
    grid = n // block_rows
    return pl.pallas_call(
        _mm_body,
        grid=(grid,),
        in_specs=[
            pl.BlockSpec((block_rows, k), lambda i: (i, 0)),
            pl.BlockSpec((k, m), lambda i: (0, 0)),
        ],
        out_specs=pl.BlockSpec((block_rows, m), lambda i: (i, 0)),
        out_shape=jax.ShapeDtypeStruct((n, m), jnp.float32),
    )(x, w)


def _em_body(e_ref, w1_ref, b1_ref, w2_ref, b2_ref, o1_ref, o2_ref):
    e = e_ref[...]
    o1_ref[...] = jnp.dot(e, w1_ref[...],
                          preferred_element_type=jnp.float32) + b1_ref[...]
    o2_ref[...] = jnp.dot(e, w2_ref[...],
                          preferred_element_type=jnp.float32) + b2_ref[...]


def _edge_proj(edge_attr, w1, b1, w2, b2, block_rows):
    e, de = edge_attr.shape
    h = w1.shape[1]
    grid = e // block_rows
    return pl.pallas_call(
        _em_body,
        grid=(grid,),
        in_specs=[
            pl.BlockSpec((block_rows, de), lambda i: (i, 0)),
            pl.BlockSpec((de, h), lambda i: (0, 0)),
            pl.BlockSpec((1, h), lambda i: (0, 0)),
            pl.BlockSpec((de, h), lambda i: (0, 0)),
            pl.BlockSpec((1, h), lambda i: (0, 0)),
        ],
        out_specs=[
            pl.BlockSpec((block_rows, h), lambda i: (i, 0)),
            pl.BlockSpec((block_rows, h), lambda i: (i, 0)),
        ],
        out_shape=[
            jax.ShapeDtypeStruct((e, h), jnp.float32),
            jax.ShapeDtypeStruct((e, h), jnp.float32),
        ],
    )(edge_attr, w1, b1, w2, b2)


def _upd_body(acc_ref, cnt_ref, x_ref, ux_ref, ua_ref, ub_ref, wn_ref,
              h_ref, xm2_ref):
    s = acc_ref[0] + acc_ref[1]
    cnt = cnt_ref[...].sum(axis=(0, 1))[:, None]
    aggr = s / jnp.maximum(cnt, 1.0)
    h = jnp.dot(x_ref[...], ux_ref[...], preferred_element_type=jnp.float32)
    h = h + jnp.dot(aggr, ua_ref[...], preferred_element_type=jnp.float32)
    h = jnp.maximum(h + ub_ref[...], 0.0)
    h_ref[...] = h
    xm2_ref[...] = jnp.dot(h, wn_ref[...], preferred_element_type=jnp.float32)


def _update(acc, cnt, x, ux, ua, ub, wnext, block_rows):
    n, h = x.shape
    grid = n // block_rows
    return pl.pallas_call(
        _upd_body,
        grid=(grid,),
        in_specs=[
            pl.BlockSpec((_NC, block_rows, h), lambda i: (0, i, 0)),
            pl.BlockSpec((_NC, _NS, block_rows), lambda i: (0, 0, i)),
            pl.BlockSpec((block_rows, h), lambda i: (i, 0)),
            pl.BlockSpec((h, h), lambda i: (0, 0)),
            pl.BlockSpec((h, h), lambda i: (0, 0)),
            pl.BlockSpec((1, h), lambda i: (0, 0)),
            pl.BlockSpec((h, h), lambda i: (0, 0)),
        ],
        out_specs=[
            pl.BlockSpec((block_rows, h), lambda i: (i, 0)),
            pl.BlockSpec((block_rows, h), lambda i: (i, 0)),
        ],
        out_shape=[
            jax.ShapeDtypeStruct((n, h), jnp.float32),
            jax.ShapeDtypeStruct((n, h), jnp.float32),
        ],
    )(acc, cnt, x, ux, ua, ub, wnext)


def _final_body(acc_ref, cnt_ref, hp_ref, b_ref, ux_ref, ua_ref, ub_ref,
                o_ref, gsum, gcnt):
    i = pl.program_id(0)
    nsteps = pl.num_programs(0)

    @pl.when(i == 0)
    def _init():
        gsum[...] = jnp.zeros_like(gsum)
        gcnt[...] = jnp.zeros_like(gcnt)

    s = acc_ref[0] + acc_ref[1]
    cnt = cnt_ref[...].sum(axis=(0, 1))[:, None]
    aggr = s / jnp.maximum(cnt, 1.0)
    h2 = jnp.dot(hp_ref[...], ux_ref[...], preferred_element_type=jnp.float32)
    h2 = h2 + jnp.dot(aggr, ua_ref[...], preferred_element_type=jnp.float32)
    h2 = jnp.maximum(h2 + ub_ref[...], 0.0)

    bb = b_ref[0, 0, :]
    nb = bb.shape[0]
    onehot = (bb[None, :] == lax.broadcasted_iota(jnp.int32, (_G, nb), 0))
    onehot = onehot.astype(jnp.float32)
    gsum[...] += jnp.dot(onehot, h2, preferred_element_type=jnp.float32,
                         precision=lax.Precision.HIGHEST)
    gcnt[...] += onehot.sum(axis=-1, keepdims=True)

    @pl.when(i == nsteps - 1)
    def _emit():
        o_ref[...] = gsum[...] / jnp.maximum(gcnt[...], 1.0)


def _final(acc, cnt, h_prev, batch3, ux, ua, ub, block_rows):
    n, h = h_prev.shape
    grid = n // block_rows
    return pl.pallas_call(
        _final_body,
        grid=(grid,),
        in_specs=[
            pl.BlockSpec((_NC, block_rows, h), lambda i: (0, i, 0)),
            pl.BlockSpec((_NC, _NS, block_rows), lambda i: (0, 0, i)),
            pl.BlockSpec((block_rows, h), lambda i: (i, 0)),
            pl.BlockSpec((1, 1, block_rows), lambda i: (i, 0, 0)),
            pl.BlockSpec((h, h), lambda i: (0, 0)),
            pl.BlockSpec((h, h), lambda i: (0, 0)),
            pl.BlockSpec((1, h), lambda i: (0, 0)),
        ],
        out_specs=pl.BlockSpec((_G, h), lambda i: (0, 0)),
        out_shape=jax.ShapeDtypeStruct((_G, h), jnp.float32),
        scratch_shapes=[
            pltpu.VMEM((_G, h), jnp.float32),
            pltpu.VMEM((_G, 1), jnp.float32),
        ],
    )(acc, cnt, h_prev, batch3, ux, ua, ub)




@functools.lru_cache(maxsize=None)
def _sc_layer(n, e, h, k, with_cnt):
    et = e // _NW
    nb = et // k
    assert et * _NW == e and nb * k == et
    hl = h // _NL
    rpt = -(-n // (_NS * 8)) * 8
    npad = rpt * _NS

    mesh = plsc.VectorSubcoreMesh(core_axis_name="c", subcore_axis_name="s")

    out_type = [jax.ShapeDtypeStruct((_NC, npad, h), jnp.float32)]
    scratch = [
        pltpu.VMEM((k,), jnp.int32),
        pltpu.VMEM((k,), jnp.int32),
        pltpu.VMEM((k, h), jnp.float32),
        pltpu.VMEM((k, h), jnp.float32),
        pltpu.VMEM_SHARED((npad, h), jnp.float32),
        pltpu.SemaphoreType.DMA,
    ]
    if with_cnt:
        out_type.append(jax.ShapeDtypeStruct((_NC, _NS, npad), jnp.float32))
        scratch.append(pltpu.VMEM((npad,), jnp.float32))

    def body(xm_h, em_h, src_h, dst_h, zh_h, *refs):
        if with_cnt:
            (acc_o, cnt_o, src_v, dst_v, msg_v, gat_v, acc_sh, sem,
             cnt_v) = refs
        else:
            acc_o, src_v, dst_v, msg_v, gat_v, acc_sh, sem = refs
        cid = lax.axis_index("c")
        sid = lax.axis_index("s")

        row0 = sid * rpt
        pltpu.sync_copy(zh_h, acc_sh.at[pl.ds(row0, rpt)])
        if with_cnt:
            zero16 = jnp.zeros((_NL,), jnp.float32)

            def zc(i, c):
                cnt_v[pl.ds(i * _NL, _NL)] = zero16
                return c

            lax.fori_loop(0, npad // _NL, zc, 0, unroll=4)
        plsc.subcore_barrier()

        tbase = (cid * _NS + sid) * et
        ones16 = jnp.ones((_NL,), jnp.float32)

        def blk(b, carry):
            base = tbase + b * k
            pltpu.sync_copy(src_h.at[pl.ds(base, k)], src_v)
            pltpu.sync_copy(dst_h.at[pl.ds(base, k)], dst_v)
            pltpu.sync_copy(em_h.at[pl.ds(base, k)], msg_v)
            pltpu.async_copy(xm_h.at[src_v], gat_v, sem).wait()

            def vec(i, c):
                r = i // hl
                col = (i % hl) * _NL
                m = msg_v[r, pl.ds(col, _NL)]
                g = gat_v[r, pl.ds(col, _NL)]
                msg_v[r, pl.ds(col, _NL)] = jnp.maximum(m + g, 0.0)
                return c

            lax.fori_loop(0, k * hl, vec, 0, unroll=4)

            pltpu.sync_copy(msg_v, acc_sh.at[dst_v], add=True)

            if with_cnt:
                def cupd(j, c):
                    idx = dst_v[pl.ds(j * _NL, _NL)]
                    plsc.addupdate_scatter(cnt_v, [idx], ones16)
                    return c

                lax.fori_loop(0, k // _NL, cupd, 0, unroll=4)
            return carry

        lax.fori_loop(0, nb, blk, 0)
        plsc.subcore_barrier()

        pltpu.sync_copy(acc_sh.at[pl.ds(row0, rpt)],
                        acc_o.at[cid, pl.ds(row0, rpt)])
        if with_cnt:
            pltpu.sync_copy(cnt_v, cnt_o.at[cid, sid])

    return pl.kernel(body, out_type=out_type, mesh=mesh,
                     scratch_types=scratch,
                     compiler_params=pltpu.CompilerParams(
                         needs_layout_passes=False))




def kernel(x, edge_index, edge_attr, batch,
           m1_W, m1_b, u1_W, u1_b,
           m2_W, m2_b, u2_W, u2_b,
           v1_W, v1_b, v2_W, v2_b):
    n, df = x.shape
    e, de = edge_attr.shape
    h = m1_W.shape[0]

    k = 80

    src = edge_index[0]
    dst = edge_index[1]

    m1x_t = m1_W[:, :df].T
    m1e_t = m1_W[:, df:].T
    m2x_t = m2_W[:, :h].T
    m2e_t = m2_W[:, h:].T
    u1x_t = u1_W[:, :df].T
    u1a_t = u1_W[:, df:].T
    u2x_t = u2_W[:, :h].T
    u2a_t = u2_W[:, h:].T
    v1_t = v1_W.T
    m1_b2 = m1_b.reshape(1, h)
    m2_b2 = m2_b.reshape(1, h)
    u1_b2 = u1_b.reshape(1, h)
    u2_b2 = u2_b.reshape(1, h)
    v1_b2 = v1_b.reshape(1, h)
    v2_row = v2_W.reshape(1, h)
    v2_b2 = v2_b.reshape(1, 1)

    blk = 1024
    npad = -(-n // blk) * blk
    rpt = npad // _NS
    zeros_h = jnp.zeros((rpt, h), jnp.float32)

    xp = jnp.pad(x, ((0, npad - n), (0, 0)))
    batch_p = jnp.pad(batch, (0, npad - n), constant_values=_G)

    xm1 = _matmul(xp, m1x_t, blk)
    em1, em2 = _edge_proj(edge_attr, m1e_t, m1_b2, m2e_t, m2_b2, 4000)

    acc1, cnt = _sc_layer(npad, e, h, k, True)(
        xm1, em1, src, dst, zeros_h)

    h1, xm2 = _update(acc1, cnt, xp, u1x_t, u1a_t, u1_b2, m2x_t, blk)

    (acc2,) = _sc_layer(npad, e, h, k, False)(
        xm2, em2, src, dst, zeros_h)

    batch3 = batch_p.reshape(npad // blk, 1, blk)
    gemb = _final(acc2, cnt, h1, batch3, u2x_t, u2a_t, u2_b2, blk)
    hid = jnp.tanh(gemb @ v1_t + v1_b2)
    return jnp.squeeze(hid @ v2_row.T + v2_b2, axis=-1)

# --- scband reference (transcript-rebuilt; emitter-appended) ---
"""Pipeline reference for scband-gnn-critic-24172075942320 (READ-ONLY COPY).

The authoritative reference and input builder live on the scoring server;
editing this copy changes nothing except your own understanding.
"""

import jax, jax.numpy as jnp
import numpy as np

N = 10000
E = 320000
DF = 128
DE = 16
H = 128
G = 64


def setup_inputs(seed: int = 0) -> dict:
    key = jax.random.key(seed)
    ks = jax.random.split(key, 20)
    x = jax.random.normal(ks[0], (N, DF), dtype=jnp.float32)
    edge_index = jax.random.randint(ks[1], (2, E), 0, N, dtype=jnp.int32)
    edge_attr = jax.random.normal(ks[2], (E, DE), dtype=jnp.float32)
    batch = jnp.sort(jax.random.randint(ks[3], (N,), 0, G, dtype=jnp.int32))
    s = 0.1
    m1_W = s * jax.random.normal(ks[4], (H, DF + DE), dtype=jnp.float32)
    m1_b = jnp.zeros((H,), dtype=jnp.float32)
    u1_W = s * jax.random.normal(ks[5], (H, DF + H), dtype=jnp.float32)
    u1_b = jnp.zeros((H,), dtype=jnp.float32)
    m2_W = s * jax.random.normal(ks[6], (H, H + DE), dtype=jnp.float32)
    m2_b = jnp.zeros((H,), dtype=jnp.float32)
    u2_W = s * jax.random.normal(ks[7], (H, H + H), dtype=jnp.float32)
    u2_b = jnp.zeros((H,), dtype=jnp.float32)
    v1_W = s * jax.random.normal(ks[8], (H, H), dtype=jnp.float32)
    v1_b = jnp.zeros((H,), dtype=jnp.float32)
    v2_W = s * jax.random.normal(ks[9], (1, H), dtype=jnp.float32)
    v2_b = jnp.zeros((1,), dtype=jnp.float32)
    return {"x": x, "edge_index": edge_index, "edge_attr": edge_attr, "batch": batch,
            "m1_W": m1_W, "m1_b": m1_b, "u1_W": u1_W, "u1_b": u1_b,
            "m2_W": m2_W, "m2_b": m2_b, "u2_W": u2_W, "u2_b": u2_b,
            "v1_W": v1_W, "v1_b": v1_b, "v2_W": v2_W, "v2_b": v2_b}


def _edge_gcn_conv(x, edge_index, edge_attr, mW, mb, uW, ub, num_nodes):
    src = edge_index[0]
    dst = edge_index[1]
    x_j = jnp.take(x, src, axis=0)
    msg_in = jnp.concatenate([x_j, edge_attr], axis=1)
    msg = jax.nn.relu(msg_in @ mW.T + mb)
    summed = jax.ops.segment_sum(msg, dst, num_segments=num_nodes)
    cnt = jax.ops.segment_sum(jnp.ones((dst.shape[0], 1), dtype=msg.dtype), dst, num_segments=num_nodes)
    aggr = summed / jnp.maximum(cnt, 1.0)
    upd_in = jnp.concatenate([x, aggr], axis=1)
    return jax.nn.relu(upd_in @ uW.T + ub)


def reference(x, edge_index, edge_attr, batch,
              m1_W, m1_b, u1_W, u1_b,
              m2_W, m2_b, u2_W, u2_b,
              v1_W, v1_b, v2_W, v2_b):
    h = _edge_gcn_conv(x, edge_index, edge_attr, m1_W, m1_b, u1_W, u1_b, N)
    h = _edge_gcn_conv(h, edge_index, edge_attr, m2_W, m2_b, u2_W, u2_b, N)
    gsum = jax.ops.segment_sum(h, batch, num_segments=G)
    gcnt = jax.ops.segment_sum(jnp.ones((batch.shape[0], 1), dtype=h.dtype), batch, num_segments=G)
    gemb = gsum / jnp.maximum(gcnt, 1.0)
    hid = jnp.tanh(gemb @ v1_W.T + v1_b)
    val = hid @ v2_W.T + v2_b
    return jnp.squeeze(val, axis=-1)

if __name__ == "__main__":
    import jax
    _d = setup_inputs()
    print(jax.jit(kernel)(*tuple(_d.values())))

</pallas_src>

<mosaic_0001>
#map = affine_map<(d0, d1) -> (0, 0)>
#map1 = affine_map<(d0, d1) -> (0)>
#map2 = affine_map<(d0, d1) -> (0, 0, 0)>
module attributes {stable_mosaic.version = 14 : i64} {
  func.func @body(%arg0: i32, %arg1: i32, %arg2: memref<10240x128xf32, #tpu.memory_space<hbm>>, %arg3: memref<320000x128xf32, #tpu.memory_space<hbm>>, %arg4: memref<320000xi32, #tpu.memory_space<hbm>>, %arg5: memref<320000xi32, #tpu.memory_space<hbm>>, %arg6: memref<640x128xf32, #tpu.memory_space<hbm>>, %arg7: memref<2x10240x128xf32, #tpu.memory_space<hbm>>, %arg8: memref<80xi32, #tpu.memory_space<vmem>>, %arg9: memref<80xi32, #tpu.memory_space<vmem>>, %arg10: memref<80x128xf32, #tpu.memory_space<vmem>>, %arg11: memref<80x128xf32, #tpu.memory_space<vmem>>, %arg12: memref<10240x128xf32, #tpu.memory_space<vmem_shared>>, %arg13: memref<!tpu.dma_semaphore, #tpu.memory_space<semaphore_mem>>) attributes {dimension_semantics = [#tpu.dimension_semantics<core_parallel>, #tpu.dimension_semantics<subcore_parallel>], iteration_bounds = array<i64: 2, 16>, scalar_prefetch = 0 : i64, scratch_operands = 6 : i64, tpu.core_type = #tpu.core_type<sc_vector_subcore>, window_params = [{transform_indices = #map}, {transform_indices = #map}, {transform_indices = #map1}, {transform_indices = #map1}, {transform_indices = #map}, {transform_indices = #map2}]} {
    %mul3A = arith.constant 640 : i32
    %mul3A_0 = arith.muli %arg1, %mul3A : i32
    "tpu.region"() ({
      %run_scoped3A = tpu.sem_alloc : memref<!tpu.dma_semaphore, #tpu.memory_space<semaphore_mem>>
      %dma_start3A = arith.constant 0 : i32
      %dma_start3A_12 = tpu.memref_slice %arg12[%mul3A_0, %dma_start3A] : memref<10240x128xf32, #tpu.memory_space<vmem_shared>> -> memref<640x128xf32, #tpu.memory_space<vmem_shared>>
      tpu.enqueue_dma source(%arg6 : memref<640x128xf32, #tpu.memory_space<hbm>>) target(%dma_start3A_12 : memref<640x128xf32, #tpu.memory_space<vmem_shared>>) target_semaphore(%run_scoped3A : memref<!tpu.dma_semaphore, #tpu.memory_space<semaphore_mem>>)
      %dma_wait3A = arith.constant 0 : i32
      %dma_wait3A_13 = tpu.memref_slice %arg12[%mul3A_0, %dma_wait3A] : memref<10240x128xf32, #tpu.memory_space<vmem_shared>> -> memref<640x128xf32, #tpu.memory_space<vmem_shared>>
      tpu.wait_dma2 semaphore(%run_scoped3A : memref<!tpu.dma_semaphore, #tpu.memory_space<semaphore_mem>>) src(%arg6 : memref<640x128xf32, #tpu.memory_space<hbm>>) dst(%dma_wait3A_13 : memref<640x128xf32, #tpu.memory_space<vmem_shared>>)
      tpu.yield
    }) : () -> ()
    %barrier3A = arith.constant 0 : index
    tpu.barrier barrier_id(%barrier3A)
    %mul3A_1 = arith.constant 16 : i32
    %mul3A_2 = arith.muli %arg0, %mul3A_1 : i32
    %add3A = arith.addi %mul3A_2, %arg1 : i32
    %mul3A_3 = arith.constant 10000 : i32
    %mul3A_4 = arith.muli %add3A, %mul3A_3 : i32
    %broadcast_in_dim3A = arith.constant 1.000000e+00 : f32
    %broadcast_in_dim3A_5 = vector.broadcast %broadcast_in_dim3A : f32 to vector<16xf32>
    %scan3A = arith.constant 0 : i32
    %scan3A_6 = arith.constant 0 : i32
    %scan3A_7 = arith.constant 125 : i32
    %scan3A_8 = arith.addi %scan3A_6, %scan3A_7 : i32
    %scan3A_9 = arith.constant 1 : i32
    scf.for %scan3A_12 = %scan3A_6 to %scan3A_8 step %scan3A_9  : i32 {
      %mul3A_13 = arith.constant 80 : i32
      %mul3A_14 = arith.muli %scan3A_12, %mul3A_13 : i32
      %add3A_15 = arith.addi %mul3A_4, %mul3A_14 : i32
      "tpu.region"() ({
        %run_scoped3A = tpu.sem_alloc : memref<!tpu.dma_semaphore, #tpu.memory_space<semaphore_mem>>
        %dma_start3A_26 = tpu.memref_slice %arg4[%add3A_15] : memref<320000xi32, #tpu.memory_space<hbm>> -> memref<80xi32, #tpu.memory_space<hbm>>
        %dma_start3A_27 = tpu.memref_slice %arg4[%add3A_15] : memref<320000xi32, #tpu.memory_space<hbm>> -> memref<80xi32, #tpu.memory_space<hbm>>
        tpu.enqueue_dma source(%dma_start3A_27 : memref<80xi32, #tpu.memory_space<hbm>>) target(%arg8 : memref<80xi32, #tpu.memory_space<vmem>>) target_semaphore(%run_scoped3A : memref<!tpu.dma_semaphore, #tpu.memory_space<semaphore_mem>>)
        %dma_wait3A_28 = tpu.memref_slice %arg4[%add3A_15] : memref<320000xi32, #tpu.memory_space<hbm>> -> memref<80xi32, #tpu.memory_space<hbm>>
        %dma_wait3A_29 = tpu.memref_slice %arg4[%add3A_15] : memref<320000xi32, #tpu.memory_space<hbm>> -> memref<80xi32, #tpu.memory_space<hbm>>
        tpu.wait_dma2 semaphore(%run_scoped3A : memref<!tpu.dma_semaphore, #tpu.memory_space<semaphore_mem>>) src(%dma_wait3A_29 : memref<80xi32, #tpu.memory_space<hbm>>) dst(%arg8 : memref<80xi32, #tpu.memory_space<vmem>>)
        tpu.yield
      }) : () -> ()
      "tpu.region"() ({
        %run_scoped3A = tpu.sem_alloc : memref<!tpu.dma_semaphore, #tpu.memory_space<semaphore_mem>>
        %dma_start3A_26 = tpu.memref_slice %arg5[%add3A_15] : memref<320000xi32, #tpu.memory_space<hbm>> -> memref<80xi32, #tpu.memory_space<hbm>>
        %dma_start3A_27 = tpu.memref_slice %arg5[%add3A_15] : memref<320000xi32, #tpu.memory_space<hbm>> -> memref<80xi32, #tpu.memory_space<hbm>>
        tpu.enqueue_dma source(%dma_start3A_27 : memref<80xi32, #tpu.memory_space<hbm>>) target(%arg9 : memref<80xi32, #tpu.memory_space<vmem>>) target_semaphore(%run_scoped3A : memref<!tpu.dma_semaphore, #tpu.memory_space<semaphore_mem>>)
        %dma_wait3A_28 = tpu.memref_slice %arg5[%add3A_15] : memref<320000xi32, #tpu.memory_space<hbm>> -> memref<80xi32, #tpu.memory_space<hbm>>
        %dma_wait3A_29 = tpu.memref_slice %arg5[%add3A_15] : memref<320000xi32, #tpu.memory_space<hbm>> -> memref<80xi32, #tpu.memory_space<hbm>>
        tpu.wait_dma2 semaphore(%run_scoped3A : memref<!tpu.dma_semaphore, #tpu.memory_space<semaphore_mem>>) src(%dma_wait3A_29 : memref<80xi32, #tpu.memory_space<hbm>>) dst(%arg9 : memref<80xi32, #tpu.memory_space<vmem>>)
        tpu.yield
      }) : () -> ()
      "tpu.region"() ({
        %run_scoped3A = tpu.sem_alloc : memref<!tpu.dma_semaphore, #tpu.memory_space<semaphore_mem>>
        %dma_start3A_26 = arith.constant 0 : i32
        %dma_start3A_27 = tpu.memref_slice %arg3[%add3A_15, %dma_start3A_26] : memref<320000x128xf32, #tpu.memory_space<hbm>> -> memref<80x128xf32, #tpu.memory_space<hbm>>
        %dma_start3A_28 = arith.constant 0 : i32
        %dma_start3A_29 = tpu.memref_slice %arg3[%add3A_15, %dma_start3A_28] : memref<320000x128xf32, #tpu.memory_space<hbm>> -> memref<80x128xf32, #tpu.memory_space<hbm>>
        tpu.enqueue_dma source(%dma_start3A_29 : memref<80x128xf32, #tpu.memory_space<hbm>>) target(%arg10 : memref<80x128xf32, #tpu.memory_space<vmem>>) target_semaphore(%run_scoped3A : memref<!tpu.dma_semaphore, #tpu.memory_space<semaphore_mem>>)
        %dma_wait3A_30 = arith.constant 0 : i32
        %dma_wait3A_31 = tpu.memref_slice %arg3[%add3A_15, %dma_wait3A_30] : memref<320000x128xf32, #tpu.memory_space<hbm>> -> memref<80x128xf32, #tpu.memory_space<hbm>>
        %dma_wait3A_32 = arith.constant 0 : i32
        %dma_wait3A_33 = tpu.memref_slice %arg3[%add3A_15, %dma_wait3A_32] : memref<320000x128xf32, #tpu.memory_space<hbm>> -> memref<80x128xf32, #tpu.memory_space<hbm>>
        tpu.wait_dma2 semaphore(%run_scoped3A : memref<!tpu.dma_semaphore, #tpu.memory_space<semaphore_mem>>) src(%dma_wait3A_33 : memref<80x128xf32, #tpu.memory_space<hbm>>) dst(%arg10 : memref<80x128xf32, #tpu.memory_space<vmem>>)
        tpu.yield
      }) : () -> ()
      %dma_start3A = arith.constant 0 : i32
      %dma_start3A_16 = arith.constant 0 : i32
      %dma_start3A_17 = tpu.memref_slice %arg2[%dma_start3A, %dma_start3A_16] : memref<10240x128xf32, #tpu.memory_space<hbm>> -> memref<10240x128xf32, #tpu.memory_space<hbm>>
      tpu.enqueue_indirect_dma source(%dma_start3A_17 : memref<10240x128xf32, #tpu.memory_space<hbm>>) target(%arg11 : memref<80x128xf32, #tpu.memory_space<vmem>>) offsets(%arg8 : memref<80xi32, #tpu.memory_space<vmem>>) semaphore(%arg13 : memref<!tpu.dma_semaphore, #tpu.memory_space<semaphore_mem>>)
      %dma_wait3A = arith.constant 0 : i32
      %dma_wait3A_18 = arith.constant 0 : i32
      %dma_wait3A_19 = tpu.memref_slice %arg2[%dma_wait3A, %dma_wait3A_18] : memref<10240x128xf32, #tpu.memory_space<hbm>> -> memref<10240x128xf32, #tpu.memory_space<hbm>>
      tpu.wait_indirect_dma semaphore(%arg13 : memref<!tpu.dma_semaphore, #tpu.memory_space<semaphore_mem>>) src(%dma_wait3A_19 : memref<10240x128xf32, #tpu.memory_space<hbm>>) dst(%arg11 : memref<80x128xf32, #tpu.memory_space<vmem>>)
      %scan3A_20 = arith.constant 0 : i32
      %scan3A_21 = arith.constant 0 : i32
      %scan3A_22 = arith.constant 640 : i32
      %scan3A_23 = arith.addi %scan3A_21, %scan3A_22 : i32
      %scan3A_24 = arith.constant 4 : i32
      scf.for %scan3A_26 = %scan3A_21 to %scan3A_23 step %scan3A_24  : i32 {
        %jit3A = arith.constant 8 : i32
        %div3A = arith.divsi %scan3A_26, %jit3A : i32
        %sign3A = arith.constant 0 : i32
        %sign3A_27 = arith.cmpi sgt, %scan3A_26, %sign3A : i32
        %sign3A_28 = arith.extui %sign3A_27 : i1 to i32
        %sign3A_29 = arith.constant 0 : i32
        %sign3A_30 = arith.cmpi slt, %scan3A_26, %sign3A_29 : i32
        %sign3A_31 = arith.extui %sign3A_30 : i1 to i32
        %sign3A_32 = arith.subi %sign3A_28, %sign3A_31 : i32
        %sign3A_33 = arith.constant 0 : i32
        %sign3A_34 = arith.cmpi sgt, %jit3A, %sign3A_33 : i32
        %sign3A_35 = arith.extui %sign3A_34 : i1 to i32
        %sign3A_36 = arith.constant 0 : i32
        %sign3A_37 = arith.cmpi slt, %jit3A, %sign3A_36 : i32
        %sign3A_38 = arith.extui %sign3A_37 : i1 to i32
        %sign3A_39 = arith.subi %sign3A_35, %sign3A_38 : i32
        %ne3A = arith.cmpi ne, %sign3A_32, %sign3A_39 : i32
        %rem3A = arith.remsi %scan3A_26, %jit3A : i32
        %ne3A_40 = arith.constant 0 : i32
        %ne3A_41 = arith.cmpi ne, %rem3A, %ne3A_40 : i32
        %and3A = arith.andi %ne3A, %ne3A_41 : i1
        %sub3A = arith.constant 1 : i32
        %sub3A_42 = arith.subi %div3A, %sub3A : i32
        %select_n3A = arith.select %and3A, %sub3A_42, %div3A : i32
        %jit3A_43 = arith.constant 8 : i32
        %eq3A = arith.constant 0 : i32
        %eq3A_44 = arith.cmpi eq, %jit3A_43, %eq3A : i32
        %jit3A_45 = arith.constant 1 : i32
        %select_n3A_46 = arith.select %eq3A_44, %jit3A_45, %jit3A_43 : i32
        %rem3A_47 = arith.remsi %scan3A_26, %select_n3A_46 : i32
        %ne3A_48 = arith.constant 0 : i32
        %ne3A_49 = arith.cmpi ne, %rem3A_47, %ne3A_48 : i32
        %lt3A = arith.constant 0 : i32
        %lt3A_50 = arith.cmpi slt, %rem3A_47, %lt3A : i32
        %lt3A_51 = arith.constant 0 : i32
        %lt3A_52 = arith.cmpi slt, %select_n3A_46, %lt3A_51 : i32
        %ne3A_53 = arith.xori %lt3A_50, %lt3A_52 : i1
        %and3A_54 = arith.andi %ne3A_53, %ne3A_49 : i1
        %add3A_55 = arith.addi %rem3A_47, %select_n3A_46 : i32
        %select_n3A_56 = arith.select %and3A_54, %add3A_55, %rem3A_47 : i32
        %mul3A_57 = arith.constant 16 : i32
        %mul3A_58 = arith.muli %select_n3A_56, %mul3A_57 : i32
        %get3A = arith.index_cast %select_n3A : i32 to index
        %get3A_59 = arith.index_cast %mul3A_58 : i32 to index
        %get3A_60 = tpu.vector_load %arg10[%get3A, %get3A_59] {strides = array<i32>} : memref<80x128xf32, #tpu.memory_space<vmem>>, vector<16xf32>,
        %get3A_61 = arith.index_cast %select_n3A : i32 to index
        %get3A_62 = arith.index_cast %mul3A_58 : i32 to index
        %get3A_63 = tpu.vector_load %arg11[%get3A_61, %get3A_62] {strides = array<i32>} : memref<80x128xf32, #tpu.memory_space<vmem>>, vector<16xf32>,
        %add3A_64 = arith.addf %get3A_60, %get3A_63 : vector<16xf32>
        %max3A = arith.constant 0.000000e+00 : f32
        %max3A_65 = vector.broadcast %max3A : f32 to vector<16xf32>
        %max3A_66 = arith.maximumf %add3A_64, %max3A_65 : vector<16xf32>
        %swap3A = arith.index_cast %select_n3A : i32 to index
        %swap3A_67 = arith.index_cast %mul3A_58 : i32 to index
        %swap3A_68 = tpu.vector_load %arg10[%swap3A, %swap3A_67] {strides = array<i32>} : memref<80x128xf32, #tpu.memory_space<vmem>>, vector<16xf32>,
        tpu.vector_store %arg10[%swap3A, %swap3A_67], %max3A_66 {strides = array<i32>} : memref<80x128xf32, #tpu.memory_space<vmem>>, vector<16xf32>,
        %scan3A_69 = arith.constant 1 : i32
        %scan3A_70 = arith.addi %scan3A_26, %scan3A_69 : i32
        %jit3A_71 = arith.constant 8 : i32
        %div3A_72 = arith.divsi %scan3A_70, %jit3A_71 : i32
        %sign3A_73 = arith.constant 0 : i32
        %sign3A_74 = arith.cmpi sgt, %scan3A_70, %sign3A_73 : i32
        %sign3A_75 = arith.extui %sign3A_74 : i1 to i32
        %sign3A_76 = arith.constant 0 : i32
        %sign3A_77 = arith.cmpi slt, %scan3A_70, %sign3A_76 : i32
        %sign3A_78 = arith.extui %sign3A_77 : i1 to i32
        %sign3A_79 = arith.subi %sign3A_75, %sign3A_78 : i32
        %sign3A_80 = arith.constant 0 : i32
        %sign3A_81 = arith.cmpi sgt, %jit3A_71, %sign3A_80 : i32
        %sign3A_82 = arith.extui %sign3A_81 : i1 to i32
        %sign3A_83 = arith.constant 0 : i32
        %sign3A_84 = arith.cmpi slt, %jit3A_71, %sign3A_83 : i32
        %sign3A_85 = arith.extui %sign3A_84 : i1 to i32
        %sign3A_86 = arith.subi %sign3A_82, %sign3A_85 : i32
        %ne3A_87 = arith.cmpi ne, %sign3A_79, %sign3A_86 : i32
        %rem3A_88 = arith.remsi %scan3A_70, %jit3A_71 : i32
        %ne3A_89 = arith.constant 0 : i32
        %ne3A_90 = arith.cmpi ne, %rem3A_88, %ne3A_89 : i32
        %and3A_91 = arith.andi %ne3A_87, %ne3A_90 : i1
        %sub3A_92 = arith.constant 1 : i32
        %sub3A_93 = arith.subi %div3A_72, %sub3A_92 : i32
        %select_n3A_94 = arith.select %and3A_91, %sub3A_93, %div3A_72 : i32
        %jit3A_95 = arith.constant 8 : i32
        %eq3A_96 = arith.constant 0 : i32
        %eq3A_97 = arith.cmpi eq, %jit3A_95, %eq3A_96 : i32
        %jit3A_98 = arith.constant 1 : i32
        %select_n3A_99 = arith.select %eq3A_97, %jit3A_98, %jit3A_95 : i32
        %rem3A_100 = arith.remsi %scan3A_70, %select_n3A_99 : i32
        %ne3A_101 = arith.constant 0 : i32
        %ne3A_102 = arith.cmpi ne, %rem3A_100, %ne3A_101 : i32
        %lt3A_103 = arith.constant 0 : i32
        %lt3A_104 = arith.cmpi slt, %rem3A_100, %lt3A_103 : i32
        %lt3A_105 = arith.constant 0 : i32
        %lt3A_106 = arith.cmpi slt, %select_n3A_99, %lt3A_105 : i32
        %ne3A_107 = arith.xori %lt3A_104, %lt3A_106 : i1
        %and3A_108 = arith.andi %ne3A_107, %ne3A_102 : i1
        %add3A_109 = arith.addi %rem3A_100, %select_n3A_99 : i32
        %select_n3A_110 = arith.select %and3A_108, %add3A_109, %rem3A_100 : i32
        %mul3A_111 = arith.constant 16 : i32
        %mul3A_112 = arith.muli %select_n3A_110, %mul3A_111 : i32
        %get3A_113 = arith.index_cast %select_n3A_94 : i32 to index
        %get3A_114 = arith.index_cast %mul3A_112 : i32 to index
        %get3A_115 = tpu.vector_load %arg10[%get3A_113, %get3A_114] {strides = array<i32>} : memref<80x128xf32, #tpu.memory_space<vmem>>, vector<16xf32>,
        %get3A_116 = arith.index_cast %select_n3A_94 : i32 to index
        %get3A_117 = arith.index_cast %mul3A_112 : i32 to index
        %get3A_118 = tpu.vector_load %arg11[%get3A_116, %get3A_117] {strides = array<i32>} : memref<80x128xf32, #tpu.memory_space<vmem>>, vector<16xf32>,
        %add3A_119 = arith.addf %get3A_115, %get3A_118 : vector<16xf32>
        %max3A_120 = arith.constant 0.000000e+00 : f32
        %max3A_121 = vector.broadcast %max3A_120 : f32 to vector<16xf32>
        %max3A_122 = arith.maximumf %add3A_119, %max3A_121 : vector<16xf32>
        %swap3A_123 = arith.index_cast %select_n3A_94 : i32 to index
        %swap3A_124 = arith.index_cast %mul3A_112 : i32 to index
        %swap3A_125 = tpu.vector_load %arg10[%swap3A_123, %swap3A_124] {strides = array<i32>} : memref<80x128xf32, #tpu.memory_space<vmem>>, vector<16xf32>,
        tpu.vector_store %arg10[%swap3A_123, %swap3A_124], %max3A_122 {strides = array<i32>} : memref<80x128xf32, #tpu.memory_space<vmem>>, vector<16xf32>,
        %scan3A_126 = arith.constant 2 : i32
        %scan3A_127 = arith.addi %scan3A_26, %scan3A_126 : i32
        %jit3A_128 = arith.constant 8 : i32
        %div3A_129 = arith.divsi %scan3A_127, %jit3A_128 : i32
        %sign3A_130 = arith.constant 0 : i32
        %sign3A_131 = arith.cmpi sgt, %scan3A_127, %sign3A_130 : i32
        %sign3A_132 = arith.extui %sign3A_131 : i1 to i32
        %sign3A_133 = arith.constant 0 : i32
        %sign3A_134 = arith.cmpi slt, %scan3A_127, %sign3A_133 : i32
        %sign3A_135 = arith.extui %sign3A_134 : i1 to i32
        %sign3A_136 = arith.subi %sign3A_132, %sign3A_135 : i32
        %sign3A_137 = arith.constant 0 : i32
        %sign3A_138 = arith.cmpi sgt, %jit3A_128, %sign3A_137 : i32
        %sign3A_139 = arith.extui %sign3A_138 : i1 to i32
        %sign3A_140 = arith.constant 0 : i32
        %sign3A_141 = arith.cmpi slt, %jit3A_128, %sign3A_140 : i32
        %sign3A_142 = arith.extui %sign3A_141 : i1 to i32
        %sign3A_143 = arith.subi %sign3A_139, %sign3A_142 : i32
        %ne3A_144 = arith.cmpi ne, %sign3A_136, %sign3A_143 : i32
        %rem3A_145 = arith.remsi %scan3A_127, %jit3A_128 : i32
        %ne3A_146 = arith.constant 0 : i32
        %ne3A_147 = arith.cmpi ne, %rem3A_145, %ne3A_146 : i32
        %and3A_148 = arith.andi %ne3A_144, %ne3A_147 : i1
        %sub3A_149 = arith.constant 1 : i32
        %sub3A_150 = arith.subi %div3A_129, %sub3A_149 : i32
        %select_n3A_151 = arith.select %and3A_148, %sub3A_150, %div3A_129 : i32
        %jit3A_152 = arith.constant 8 : i32
        %eq3A_153 = arith.constant 0 : i32
        %eq3A_154 = arith.cmpi eq, %jit3A_152, %eq3A_153 : i32
        %jit3A_155 = arith.constant 1 : i32
        %select_n3A_156 = arith.select %eq3A_154, %jit3A_155, %jit3A_152 : i32
        %rem3A_157 = arith.remsi %scan3A_127, %select_n3A_156 : i32
        %ne3A_158 = arith.constant 0 : i32
        %ne3A_159 = arith.cmpi ne, %rem3A_157, %ne3A_158 : i32
        %lt3A_160 = arith.constant 0 : i32
        %lt3A_161 = arith.cmpi slt, %rem3A_157, %lt3A_160 : i32
        %lt3A_162 = arith.constant 0 : i32
        %lt3A_163 = arith.cmpi slt, %select_n3A_156, %lt3A_162 : i32
        %ne3A_164 = arith.xori %lt3A_161, %lt3A_163 : i1
        %and3A_165 = arith.andi %ne3A_164, %ne3A_159 : i1
        %add3A_166 = arith.addi %rem3A_157, %select_n3A_156 : i32
        %select_n3A_167 = arith.select %and3A_165, %add3A_166, %rem3A_157 : i32
        %mul3A_168 = arith.constant 16 : i32
        %mul3A_169 = arith.muli %select_n3A_167, %mul3A_168 : i32
        %get3A_170 = arith.index_cast %select_n3A_151 : i32 to index
        %get3A_171 = arith.index_cast %mul3A_169 : i32 to index
        %get3A_172 = tpu.vector_load %arg10[%get3A_170, %get3A_171] {strides = array<i32>} : memref<80x128xf32, #tpu.memory_space<vmem>>, vector<16xf32>,
        %get3A_173 = arith.index_cast %select_n3A_151 : i32 to index
        %get3A_174 = arith.index_cast %mul3A_169 : i32 to index
        %get3A_175 = tpu.vector_load %arg11[%get3A_173, %get3A_174] {strides = array<i32>} : memref<80x128xf32, #tpu.memory_space<vmem>>, vector<16xf32>,
        %add3A_176 = arith.addf %get3A_172, %get3A_175 : vector<16xf32>
        %max3A_177 = arith.constant 0.000000e+00 : f32
        %max3A_178 = vector.broadcast %max3A_177 : f32 to vector<16xf32>
        %max3A_179 = arith.maximumf %add3A_176, %max3A_178 : vector<16xf32>
        %swap3A_180 = arith.index_cast %select_n3A_151 : i32 to index
        %swap3A_181 = arith.index_cast %mul3A_169 : i32 to index
        %swap3A_182 = tpu.vector_load %arg10[%swap3A_180, %swap3A_181] {strides = array<i32>} : memref<80x128xf32, #tpu.memory_space<vmem>>, vector<16xf32>,
        tpu.vector_store %arg10[%swap3A_180, %swap3A_181], %max3A_179 {strides = array<i32>} : memref<80x128xf32, #tpu.memory_space<vmem>>, vector<16xf32>,
        %scan3A_183 = arith.constant 3 : i32
        %scan3A_184 = arith.addi %scan3A_26, %scan3A_183 : i32
        %jit3A_185 = arith.constant 8 : i32
        %div3A_186 = arith.divsi %scan3A_184, %jit3A_185 : i32
        %sign3A_187 = arith.constant 0 : i32
        %sign3A_188 = arith.cmpi sgt, %scan3A_184, %sign3A_187 : i32
        %sign3A_189 = arith.extui %sign3A_188 : i1 to i32
        %sign3A_190 = arith.constant 0 : i32
        %sign3A_191 = arith.cmpi slt, %scan3A_184, %sign3A_190 : i32
        %sign3A_192 = arith.extui %sign3A_191 : i1 to i32
        %sign3A_193 = arith.subi %sign3A_189, %sign3A_192 : i32
        %sign3A_194 = arith.constant 0 : i32
        %sign3A_195 = arith.cmpi sgt, %jit3A_185, %sign3A_194 : i32
        %sign3A_196 = arith.extui %sign3A_195 : i1 to i32
        %sign3A_197 = arith.constant 0 : i32
        %sign3A_198 = arith.cmpi slt, %jit3A_185, %sign3A_197 : i32
        %sign3A_199 = arith.extui %sign3A_198 : i1 to i32
        %sign3A_200 = arith.subi %sign3A_196, %sign3A_199 : i32
        %ne3A_201 = arith.cmpi ne, %sign3A_193, %sign3A_200 : i32
        %rem3A_202 = arith.remsi %scan3A_184, %jit3A_185 : i32
        %ne3A_203 = arith.constant 0 : i32
        %ne3A_204 = arith.cmpi ne, %rem3A_202, %ne3A_203 : i32
        %and3A_205 = arith.andi %ne3A_201, %ne3A_204 : i1
        %sub3A_206 = arith.constant 1 : i32
        %sub3A_207 = arith.subi %div3A_186, %sub3A_206 : i32
        %select_n3A_208 = arith.select %and3A_205, %sub3A_207, %div3A_186 : i32
        %jit3A_209 = arith.constant 8 : i32
        %eq3A_210 = arith.constant 0 : i32
        %eq3A_211 = arith.cmpi eq, %jit3A_209, %eq3A_210 : i32
        %jit3A_212 = arith.constant 1 : i32
        %select_n3A_213 = arith.select %eq3A_211, %jit3A_212, %jit3A_209 : i32
        %rem3A_214 = arith.remsi %scan3A_184, %select_n3A_213 : i32
        %ne3A_215 = arith.constant 0 : i32
        %ne3A_216 = arith.cmpi ne, %rem3A_214, %ne3A_215 : i32
        %lt3A_217 = arith.constant 0 : i32
        %lt3A_218 = arith.cmpi slt, %rem3A_214, %lt3A_217 : i32
        %lt3A_219 = arith.constant 0 : i32
        %lt3A_220 = arith.cmpi slt, %select_n3A_213, %lt3A_219 : i32
        %ne3A_221 = arith.xori %lt3A_218, %lt3A_220 : i1
        %and3A_222 = arith.andi %ne3A_221, %ne3A_216 : i1
        %add3A_223 = arith.addi %rem3A_214, %select_n3A_213 : i32
        %select_n3A_224 = arith.select %and3A_222, %add3A_223, %rem3A_214 : i32
        %mul3A_225 = arith.constant 16 : i32
        %mul3A_226 = arith.muli %select_n3A_224, %mul3A_225 : i32
        %get3A_227 = arith.index_cast %select_n3A_208 : i32 to index
        %get3A_228 = arith.index_cast %mul3A_226 : i32 to index
        %get3A_229 = tpu.vector_load %arg10[%get3A_227, %get3A_228] {strides = array<i32>} : memref<80x128xf32, #tpu.memory_space<vmem>>, vector<16xf32>,
        %get3A_230 = arith.index_cast %select_n3A_208 : i32 to index
        %get3A_231 = arith.index_cast %mul3A_226 : i32 to index
        %get3A_232 = tpu.vector_load %arg11[%get3A_230, %get3A_231] {strides = array<i32>} : memref<80x128xf32, #tpu.memory_space<vmem>>, vector<16xf32>,
        %add3A_233 = arith.addf %get3A_229, %get3A_232 : vector<16xf32>
        %max3A_234 = arith.constant 0.000000e+00 : f32
        %max3A_235 = vector.broadcast %max3A_234 : f32 to vector<16xf32>
        %max3A_236 = arith.maximumf %add3A_233, %max3A_235 : vector<16xf32>
        %swap3A_237 = arith.index_cast %select_n3A_208 : i32 to index
        %swap3A_238 = arith.index_cast %mul3A_226 : i32 to index
        %swap3A_239 = tpu.vector_load %arg10[%swap3A_237, %swap3A_238] {strides = array<i32>} : memref<80x128xf32, #tpu.memory_space<vmem>>, vector<16xf32>,
        tpu.vector_store %arg10[%swap3A_237, %swap3A_238], %max3A_236 {strides = array<i32>} : memref<80x128xf32, #tpu.memory_space<vmem>>, vector<16xf32>,
      }
      %scan3A_25 = arith.constant 640 : i32
      "tpu.region"() ({
        %run_scoped3A = tpu.sem_alloc : memref<!tpu.dma_semaphore, #tpu.memory_space<semaphore_mem>>
        %dma_start3A_26 = arith.constant 0 : i32
        %dma_start3A_27 = arith.constant 0 : i32
        %dma_start3A_28 = tpu.memref_slice %arg12[%dma_start3A_26, %dma_start3A_27] : memref<10240x128xf32, #tpu.memory_space<vmem_shared>> -> memref<10240x128xf32, #tpu.memory_space<vmem_shared>>
        tpu.enqueue_indirect_dma source(%arg10 : memref<80x128xf32, #tpu.memory_space<vmem>>) target(%dma_start3A_28 : memref<10240x128xf32, #tpu.memory_space<vmem_shared>>) offsets(%arg9 : memref<80xi32, #tpu.memory_space<vmem>>) semaphore(%run_scoped3A : memref<!tpu.dma_semaphore, #tpu.memory_space<semaphore_mem>>) {add = true}
        %dma_wait3A_29 = arith.constant 0 : i32
        %dma_wait3A_30 = arith.constant 0 : i32
        %dma_wait3A_31 = tpu.memref_slice %arg12[%dma_wait3A_29, %dma_wait3A_30] : memref<10240x128xf32, #tpu.memory_space<vmem_shared>> -> memref<10240x128xf32, #tpu.memory_space<vmem_shared>>
        tpu.wait_indirect_dma semaphore(%run_scoped3A : memref<!tpu.dma_semaphore, #tpu.memory_space<semaphore_mem>>) src(%arg10 : memref<80x128xf32, #tpu.memory_space<vmem>>) dst(%dma_wait3A_31 : memref<10240x128xf32, #tpu.memory_space<vmem_shared>>)
        tpu.yield
      }) : () -> ()
    }
    %scan3A_10 = arith.constant 125 : i32
    %barrier3A_11 = arith.constant 0 : index
    tpu.barrier barrier_id(%barrier3A_11)
    "tpu.region"() ({
      %run_scoped3A = tpu.sem_alloc : memref<!tpu.dma_semaphore, #tpu.memory_space<semaphore_mem>>
      %dma_start3A = arith.constant 0 : i32
      %dma_start3A_12 = tpu.memref_slice %arg7[%arg0, %mul3A_0, %dma_start3A] : memref<2x10240x128xf32, #tpu.memory_space<hbm>> -> memref<1x640x128xf32, #tpu.memory_space<hbm>>
      %dma_start3A_13 = tpu.memref_squeeze %dma_start3A_12 : memref<1x640x128xf32, #tpu.memory_space<hbm>> -> memref<640x128xf32, #tpu.memory_space<hbm>>
      %dma_start3A_14 = arith.constant 0 : i32
      %dma_start3A_15 = tpu.memref_slice %arg12[%mul3A_0, %dma_start3A_14] : memref<10240x128xf32, #tpu.memory_space<vmem_shared>> -> memref<640x128xf32, #tpu.memory_space<vmem_shared>>
      tpu.enqueue_dma source(%dma_start3A_15 : memref<640x128xf32, #tpu.memory_space<vmem_shared>>) target(%dma_start3A_13 : memref<640x128xf32, #tpu.memory_space<hbm>>) target_semaphore(%run_scoped3A : memref<!tpu.dma_semaphore, #tpu.memory_space<semaphore_mem>>)
      %dma_wait3A = arith.constant 0 : i32
      %dma_wait3A_16 = tpu.memref_slice %arg7[%arg0, %mul3A_0, %dma_wait3A] : memref<2x10240x128xf32, #tpu.memory_space<hbm>> -> memref<1x640x128xf32, #tpu.memory_space<hbm>>
      %dma_wait3A_17 = tpu.memref_squeeze %dma_wait3A_16 : memref<1x640x128xf32, #tpu.memory_space<hbm>> -> memref<640x128xf32, #tpu.memory_space<hbm>>
      %dma_wait3A_18 = arith.constant 0 : i32
      %dma_wait3A_19 = tpu.memref_slice %arg12[%mul3A_0, %dma_wait3A_18] : memref<10240x128xf32, #tpu.memory_space<vmem_shared>> -> memref<640x128xf32, #tpu.memory_space<vmem_shared>>
      tpu.wait_dma2 semaphore(%run_scoped3A : memref<!tpu.dma_semaphore, #tpu.memory_space<semaphore_mem>>) src(%dma_wait3A_19 : memref<640x128xf32, #tpu.memory_space<vmem_shared>>) dst(%dma_wait3A_17 : memref<640x128xf32, #tpu.memory_space<hbm>>)
      tpu.yield
    }) : () -> ()
    return
  }
}

#map = affine_map<(d0, d1) -> (0, 0)>
#map1 = affine_map<(d0, d1) -> (0)>
#map2 = affine_map<(d0, d1) -> (0, 0, 0)>
module attributes {stable_mosaic.version = 14 : i64} {
  func.func @body(%arg0: i32, %arg1: i32, %arg2: memref<10240x128xf32, #tpu.memory_space<hbm>>, %arg3: memref<320000x128xf32, #tpu.memory_space<hbm>>, %arg4: memref<320000xi32, #tpu.memory_space<hbm>>, %arg5: memref<320000xi32, #tpu.memory_space<hbm>>, %arg6: memref<640x128xf32, #tpu.memory_space<hbm>>, %arg7: memref<2x10240x128xf32, #tpu.memory_space<hbm>>, %arg8: memref<2x16x10240xf32, #tpu.memory_space<hbm>>, %arg9: memref<80xi32, #tpu.memory_space<vmem>>, %arg10: memref<80xi32, #tpu.memory_space<vmem>>, %arg11: memref<80x128xf32, #tpu.memory_space<vmem>>, %arg12: memref<80x128xf32, #tpu.memory_space<vmem>>, %arg13: memref<10240x128xf32, #tpu.memory_space<vmem_shared>>, %arg14: memref<!tpu.dma_semaphore, #tpu.memory_space<semaphore_mem>>, %arg15: memref<10240xf32, #tpu.memory_space<vmem>>) attributes {dimension_semantics = [#tpu.dimension_semantics<core_parallel>, #tpu.dimension_semantics<subcore_parallel>], iteration_bounds = array<i64: 2, 16>, scalar_prefetch = 0 : i64, scratch_operands = 7 : i64, tpu.core_type = #tpu.core_type<sc_vector_subcore>, window_params = [{transform_indices = #map}, {transform_indices = #map}, {transform_indices = #map1}, {transform_indices = #map1}, {transform_indices = #map}, {transform_indices = #map2}, {transform_indices = #map2}]} {
    %mul3A = arith.constant 640 : i32
    %mul3A_0 = arith.muli %arg1, %mul3A : i32
    "tpu.region"() ({
      %run_scoped3A = tpu.sem_alloc : memref<!tpu.dma_semaphore, #tpu.memory_space<semaphore_mem>>
      %dma_start3A = arith.constant 0 : i32
      %dma_start3A_20 = tpu.memref_slice %arg13[%mul3A_0, %dma_start3A] : memref<10240x128xf32, #tpu.memory_space<vmem_shared>> -> memref<640x128xf32, #tpu.memory_space<vmem_shared>>
      tpu.enqueue_dma source(%arg6 : memref<640x128xf32, #tpu.memory_space<hbm>>) target(%dma_start3A_20 : memref<640x128xf32, #tpu.memory_space<vmem_shared>>) target_semaphore(%run_scoped3A : memref<!tpu.dma_semaphore, #tpu.memory_space<semaphore_mem>>)
      %dma_wait3A = arith.constant 0 : i32
      %dma_wait3A_21 = tpu.memref_slice %arg13[%mul3A_0, %dma_wait3A] : memref<10240x128xf32, #tpu.memory_space<vmem_shared>> -> memref<640x128xf32, #tpu.memory_space<vmem_shared>>
      tpu.wait_dma2 semaphore(%run_scoped3A : memref<!tpu.dma_semaphore, #tpu.memory_space<semaphore_mem>>) src(%arg6 : memref<640x128xf32, #tpu.memory_space<hbm>>) dst(%dma_wait3A_21 : memref<640x128xf32, #tpu.memory_space<vmem_shared>>)
      tpu.yield
    }) : () -> ()
    %broadcast_in_dim3A = arith.constant 0.000000e+00 : f32
    %broadcast_in_dim3A_1 = vector.broadcast %broadcast_in_dim3A : f32 to vector<16xf32>
    %scan3A = arith.constant 0 : i32
    %scan3A_2 = arith.constant 0 : i32
    %scan3A_3 = arith.constant 640 : i32
    %scan3A_4 = arith.addi %scan3A_2, %scan3A_3 : i32
    %scan3A_5 = arith.constant 4 : i32
    scf.for %scan3A_20 = %scan3A_2 to %scan3A_4 step %scan3A_5  : i32 {
      %mul3A_21 = arith.constant 16 : i32
      %mul3A_22 = arith.muli %scan3A_20, %mul3A_21 : i32
      %swap3A = arith.index_cast %mul3A_22 : i32 to index
      %swap3A_23 = tpu.vector_load %arg15[%swap3A] {strides = array<i32>} : memref<10240xf32, #tpu.memory_space<vmem>>, vector<16xf32>,
      tpu.vector_store %arg15[%swap3A], %broadcast_in_dim3A_1 {strides = array<i32>} : memref<10240xf32, #tpu.memory_space<vmem>>, vector<16xf32>,
      %scan3A_24 = arith.constant 1 : i32
      %scan3A_25 = arith.addi %scan3A_20, %scan3A_24 : i32
      %mul3A_26 = arith.constant 16 : i32
      %mul3A_27 = arith.muli %scan3A_25, %mul3A_26 : i32
      %swap3A_28 = arith.index_cast %mul3A_27 : i32 to index
      %swap3A_29 = tpu.vector_load %arg15[%swap3A_28] {strides = array<i32>} : memref<10240xf32, #tpu.memory_space<vmem>>, vector<16xf32>,
      tpu.vector_store %arg15[%swap3A_28], %broadcast_in_dim3A_1 {strides = array<i32>} : memref<10240xf32, #tpu.memory_space<vmem>>, vector<16xf32>,
      %scan3A_30 = arith.constant 2 : i32
      %scan3A_31 = arith.addi %scan3A_20, %scan3A_30 : i32
      %mul3A_32 = arith.constant 16 : i32
      %mul3A_33 = arith.muli %scan3A_31, %mul3A_32 : i32
      %swap3A_34 = arith.index_cast %mul3A_33 : i32 to index
      %swap3A_35 = tpu.vector_load %arg15[%swap3A_34] {strides = array<i32>} : memref<10240xf32, #tpu.memory_space<vmem>>, vector<16xf32>,
      tpu.vector_store %arg15[%swap3A_34], %broadcast_in_dim3A_1 {strides = array<i32>} : memref<10240xf32, #tpu.memory_space<vmem>>, vector<16xf32>,
      %scan3A_36 = arith.constant 3 : i32
      %scan3A_37 = arith.addi %scan3A_20, %scan3A_36 : i32
      %mul3A_38 = arith.constant 16 : i32
      %mul3A_39 = arith.muli %scan3A_37, %mul3A_38 : i32
      %swap3A_40 = arith.index_cast %mul3A_39 : i32 to index
      %swap3A_41 = tpu.vector_load %arg15[%swap3A_40] {strides = array<i32>} : memref<10240xf32, #tpu.memory_space<vmem>>, vector<16xf32>,
      tpu.vector_store %arg15[%swap3A_40], %broadcast_in_dim3A_1 {strides = array<i32>} : memref<10240xf32, #tpu.memory_space<vmem>>, vector<16xf32>,
    }
    %scan3A_6 = arith.constant 640 : i32
    %barrier3A = arith.constant 0 : index
    tpu.barrier barrier_id(%barrier3A)
    %mul3A_7 = arith.constant 16 : i32
    %mul3A_8 = arith.muli %arg0, %mul3A_7 : i32
    %add3A = arith.addi %mul3A_8, %arg1 : i32
    %mul3A_9 = arith.constant 10000 : i32
    %mul3A_10 = arith.muli %add3A, %mul3A_9 : i32
    %broadcast_in_dim3A_11 = arith.constant 1.000000e+00 : f32
    %broadcast_in_dim3A_12 = vector.broadcast %broadcast_in_dim3A_11 : f32 to vector<16xf32>
    %scan3A_13 = arith.constant 0 : i32
    %scan3A_14 = arith.constant 0 : i32
    %scan3A_15 = arith.constant 125 : i32
    %scan3A_16 = arith.addi %scan3A_14, %scan3A_15 : i32
    %scan3A_17 = arith.constant 1 : i32
    scf.for %scan3A_20 = %scan3A_14 to %scan3A_16 step %scan3A_17  : i32 {
      %mul3A_21 = arith.constant 80 : i32
      %mul3A_22 = arith.muli %scan3A_20, %mul3A_21 : i32
      %add3A_23 = arith.addi %mul3A_10, %mul3A_22 : i32
      "tpu.region"() ({
        %run_scoped3A = tpu.sem_alloc : memref<!tpu.dma_semaphore, #tpu.memory_space<semaphore_mem>>
        %dma_start3A_45 = tpu.memref_slice %arg4[%add3A_23] : memref<320000xi32, #tpu.memory_space<hbm>> -> memref<80xi32, #tpu.memory_space<hbm>>
        %dma_start3A_46 = tpu.memref_slice %arg4[%add3A_23] : memref<320000xi32, #tpu.memory_space<hbm>> -> memref<80xi32, #tpu.memory_space<hbm>>
        tpu.enqueue_dma source(%dma_start3A_46 : memref<80xi32, #tpu.memory_space<hbm>>) target(%arg9 : memref<80xi32, #tpu.memory_space<vmem>>) target_semaphore(%run_scoped3A : memref<!tpu.dma_semaphore, #tpu.memory_space<semaphore_mem>>)
        %dma_wait3A_47 = tpu.memref_slice %arg4[%add3A_23] : memref<320000xi32, #tpu.memory_space<hbm>> -> memref<80xi32, #tpu.memory_space<hbm>>
        %dma_wait3A_48 = tpu.memref_slice %arg4[%add3A_23] : memref<320000xi32, #tpu.memory_space<hbm>> -> memref<80xi32, #tpu.memory_space<hbm>>
        tpu.wait_dma2 semaphore(%run_scoped3A : memref<!tpu.dma_semaphore, #tpu.memory_space<semaphore_mem>>) src(%dma_wait3A_48 : memref<80xi32, #tpu.memory_space<hbm>>) dst(%arg9 : memref<80xi32, #tpu.memory_space<vmem>>)
        tpu.yield
      }) : () -> ()
      "tpu.region"() ({
        %run_scoped3A = tpu.sem_alloc : memref<!tpu.dma_semaphore, #tpu.memory_space<semaphore_mem>>
        %dma_start3A_45 = tpu.memref_slice %arg5[%add3A_23] : memref<320000xi32, #tpu.memory_space<hbm>> -> memref<80xi32, #tpu.memory_space<hbm>>
        %dma_start3A_46 = tpu.memref_slice %arg5[%add3A_23] : memref<320000xi32, #tpu.memory_space<hbm>> -> memref<80xi32, #tpu.memory_space<hbm>>
        tpu.enqueue_dma source(%dma_start3A_46 : memref<80xi32, #tpu.memory_space<hbm>>) target(%arg10 : memref<80xi32, #tpu.memory_space<vmem>>) target_semaphore(%run_scoped3A : memref<!tpu.dma_semaphore, #tpu.memory_space<semaphore_mem>>)
        %dma_wait3A_47 = tpu.memref_slice %arg5[%add3A_23] : memref<320000xi32, #tpu.memory_space<hbm>> -> memref<80xi32, #tpu.memory_space<hbm>>
        %dma_wait3A_48 = tpu.memref_slice %arg5[%add3A_23] : memref<320000xi32, #tpu.memory_space<hbm>> -> memref<80xi32, #tpu.memory_space<hbm>>
        tpu.wait_dma2 semaphore(%run_scoped3A : memref<!tpu.dma_semaphore, #tpu.memory_space<semaphore_mem>>) src(%dma_wait3A_48 : memref<80xi32, #tpu.memory_space<hbm>>) dst(%arg10 : memref<80xi32, #tpu.memory_space<vmem>>)
        tpu.yield
      }) : () -> ()
      "tpu.region"() ({
        %run_scoped3A = tpu.sem_alloc : memref<!tpu.dma_semaphore, #tpu.memory_space<semaphore_mem>>
        %dma_start3A_45 = arith.constant 0 : i32
        %dma_start3A_46 = tpu.memref_slice %arg3[%add3A_23, %dma_start3A_45] : memref<320000x128xf32, #tpu.memory_space<hbm>> -> memref<80x128xf32, #tpu.memory_space<hbm>>
        %dma_start3A_47 = arith.constant 0 : i32
        %dma_start3A_48 = tpu.memref_slice %arg3[%add3A_23, %dma_start3A_47] : memref<320000x128xf32, #tpu.memory_space<hbm>> -> memref<80x128xf32, #tpu.memory_space<hbm>>
        tpu.enqueue_dma source(%dma_start3A_48 : memref<80x128xf32, #tpu.memory_space<hbm>>) target(%arg11 : memref<80x128xf32, #tpu.memory_space<vmem>>) target_semaphore(%run_scoped3A : memref<!tpu.dma_semaphore, #tpu.memory_space<semaphore_mem>>)
        %dma_wait3A_49 = arith.constant 0 : i32
        %dma_wait3A_50 = tpu.memref_slice %arg3[%add3A_23, %dma_wait3A_49] : memref<320000x128xf32, #tpu.memory_space<hbm>> -> memref<80x128xf32, #tpu.memory_space<hbm>>
        %dma_wait3A_51 = arith.constant 0 : i32
        %dma_wait3A_52 = tpu.memref_slice %arg3[%add3A_23, %dma_wait3A_51] : memref<320000x128xf32, #tpu.memory_space<hbm>> -> memref<80x128xf32, #tpu.memory_space<hbm>>
        tpu.wait_dma2 semaphore(%run_scoped3A : memref<!tpu.dma_semaphore, #tpu.memory_space<semaphore_mem>>) src(%dma_wait3A_52 : memref<80x128xf32, #tpu.memory_space<hbm>>) dst(%arg11 : memref<80x128xf32, #tpu.memory_space<vmem>>)
        tpu.yield
      }) : () -> ()
      %dma_start3A = arith.constant 0 : i32
      %dma_start3A_24 = arith.constant 0 : i32
      %dma_start3A_25 = tpu.memref_slice %arg2[%dma_start3A, %dma_start3A_24] : memref<10240x128xf32, #tpu.memory_space<hbm>> -> memref<10240x128xf32, #tpu.memory_space<hbm>>
      tpu.enqueue_indirect_dma source(%dma_start3A_25 : memref<10240x128xf32, #tpu.memory_space<hbm>>) target(%arg12 : memref<80x128xf32, #tpu.memory_space<vmem>>) offsets(%arg9 : memref<80xi32, #tpu.memory_space<vmem>>) semaphore(%arg14 : memref<!tpu.dma_semaphore, #tpu.memory_space<semaphore_mem>>)
      %dma_wait3A = arith.constant 0 : i32
      %dma_wait3A_26 = arith.constant 0 : i32
      %dma_wait3A_27 = tpu.memref_slice %arg2[%dma_wait3A, %dma_wait3A_26] : memref<10240x128xf32, #tpu.memory_space<hbm>> -> memref<10240x128xf32, #tpu.memory_space<hbm>>
      tpu.wait_indirect_dma semaphore(%arg14 : memref<!tpu.dma_semaphore, #tpu.memory_space<semaphore_mem>>) src(%dma_wait3A_27 : memref<10240x128xf32, #tpu.memory_space<hbm>>) dst(%arg12 : memref<80x128xf32, #tpu.memory_space<vmem>>)
      %scan3A_28 = arith.constant 0 : i32
      %scan3A_29 = arith.constant 0 : i32
      %scan3A_30 = arith.constant 640 : i32
      %scan3A_31 = arith.addi %scan3A_29, %scan3A_30 : i32
      %scan3A_32 = arith.constant 4 : i32
      scf.for %scan3A_45 = %scan3A_29 to %scan3A_31 step %scan3A_32  : i32 {
        %jit3A = arith.constant 8 : i32
        %div3A = arith.divsi %scan3A_45, %jit3A : i32
        %sign3A = arith.constant 0 : i32
        %sign3A_46 = arith.cmpi sgt, %scan3A_45, %sign3A : i32
        %sign3A_47 = arith.extui %sign3A_46 : i1 to i32
        %sign3A_48 = arith.constant 0 : i32
        %sign3A_49 = arith.cmpi slt, %scan3A_45, %sign3A_48 : i32
        %sign3A_50 = arith.extui %sign3A_49 : i1 to i32
        %sign3A_51 = arith.subi %sign3A_47, %sign3A_50 : i32
        %sign3A_52 = arith.constant 0 : i32
        %sign3A_53 = arith.cmpi sgt, %jit3A, %sign3A_52 : i32
        %sign3A_54 = arith.extui %sign3A_53 : i1 to i32
        %sign3A_55 = arith.constant 0 : i32
        %sign3A_56 = arith.cmpi slt, %jit3A, %sign3A_55 : i32
        %sign3A_57 = arith.extui %sign3A_56 : i1 to i32
        %sign3A_58 = arith.subi %sign3A_54, %sign3A_57 : i32
        %ne3A = arith.cmpi ne, %sign3A_51, %sign3A_58 : i32
        %rem3A = arith.remsi %scan3A_45, %jit3A : i32
        %ne3A_59 = arith.constant 0 : i32
        %ne3A_60 = arith.cmpi ne, %rem3A, %ne3A_59 : i32
        %and3A = arith.andi %ne3A, %ne3A_60 : i1
        %sub3A = arith.constant 1 : i32
        %sub3A_61 = arith.subi %div3A, %sub3A : i32
        %select_n3A = arith.select %and3A, %sub3A_61, %div3A : i32
        %jit3A_62 = arith.constant 8 : i32
        %eq3A = arith.constant 0 : i32
        %eq3A_63 = arith.cmpi eq, %jit3A_62, %eq3A : i32
        %jit3A_64 = arith.constant 1 : i32
        %select_n3A_65 = arith.select %eq3A_63, %jit3A_64, %jit3A_62 : i32
        %rem3A_66 = arith.remsi %scan3A_45, %select_n3A_65 : i32
        %ne3A_67 = arith.constant 0 : i32
        %ne3A_68 = arith.cmpi ne, %rem3A_66, %ne3A_67 : i32
        %lt3A = arith.constant 0 : i32
        %lt3A_69 = arith.cmpi slt, %rem3A_66, %lt3A : i32
        %lt3A_70 = arith.constant 0 : i32
        %lt3A_71 = arith.cmpi slt, %select_n3A_65, %lt3A_70 : i32
        %ne3A_72 = arith.xori %lt3A_69, %lt3A_71 : i1
        %and3A_73 = arith.andi %ne3A_72, %ne3A_68 : i1
        %add3A_74 = arith.addi %rem3A_66, %select_n3A_65 : i32
        %select_n3A_75 = arith.select %and3A_73, %add3A_74, %rem3A_66 : i32
        %mul3A_76 = arith.constant 16 : i32
        %mul3A_77 = arith.muli %select_n3A_75, %mul3A_76 : i32
        %get3A_78 = arith.index_cast %select_n3A : i32 to index
        %get3A_79 = arith.index_cast %mul3A_77 : i32 to index
        %get3A_80 = tpu.vector_load %arg11[%get3A_78, %get3A_79] {strides = array<i32>} : memref<80x128xf32, #tpu.memory_space<vmem>>, vector<16xf32>,
        %get3A_81 = arith.index_cast %select_n3A : i32 to index
        %get3A_82 = arith.index_cast %mul3A_77 : i32 to index
        %get3A_83 = tpu.vector_load %arg12[%get3A_81, %get3A_82] {strides = array<i32>} : memref<80x128xf32, #tpu.memory_space<vmem>>, vector<16xf32>,
        %add3A_84 = arith.addf %get3A_80, %get3A_83 : vector<16xf32>
        %max3A = arith.constant 0.000000e+00 : f32
        %max3A_85 = vector.broadcast %max3A : f32 to vector<16xf32>
        %max3A_86 = arith.maximumf %add3A_84, %max3A_85 : vector<16xf32>
        %swap3A = arith.index_cast %select_n3A : i32 to index
        %swap3A_87 = arith.index_cast %mul3A_77 : i32 to index
        %swap3A_88 = tpu.vector_load %arg11[%swap3A, %swap3A_87] {strides = array<i32>} : memref<80x128xf32, #tpu.memory_space<vmem>>, vector<16xf32>,
        tpu.vector_store %arg11[%swap3A, %swap3A_87], %max3A_86 {strides = array<i32>} : memref<80x128xf32, #tpu.memory_space<vmem>>, vector<16xf32>,
        %scan3A_89 = arith.constant 1 : i32
        %scan3A_90 = arith.addi %scan3A_45, %scan3A_89 : i32
        %jit3A_91 = arith.constant 8 : i32
        %div3A_92 = arith.divsi %scan3A_90, %jit3A_91 : i32
        %sign3A_93 = arith.constant 0 : i32
        %sign3A_94 = arith.cmpi sgt, %scan3A_90, %sign3A_93 : i32
        %sign3A_95 = arith.extui %sign3A_94 : i1 to i32
        %sign3A_96 = arith.constant 0 : i32
        %sign3A_97 = arith.cmpi slt, %scan3A_90, %sign3A_96 : i32
        %sign3A_98 = arith.extui %sign3A_97 : i1 to i32
        %sign3A_99 = arith.subi %sign3A_95, %sign3A_98 : i32
        %sign3A_100 = arith.constant 0 : i32
        %sign3A_101 = arith.cmpi sgt, %jit3A_91, %sign3A_100 : i32
        %sign3A_102 = arith.extui %sign3A_101 : i1 to i32
        %sign3A_103 = arith.constant 0 : i32
        %sign3A_104 = arith.cmpi slt, %jit3A_91, %sign3A_103 : i32
        %sign3A_105 = arith.extui %sign3A_104 : i1 to i32
        %sign3A_106 = arith.subi %sign3A_102, %sign3A_105 : i32
        %ne3A_107 = arith.cmpi ne, %sign3A_99, %sign3A_106 : i32
        %rem3A_108 = arith.remsi %scan3A_90, %jit3A_91 : i32
        %ne3A_109 = arith.constant 0 : i32
        %ne3A_110 = arith.cmpi ne, %rem3A_108, %ne3A_109 : i32
        %and3A_111 = arith.andi %ne3A_107, %ne3A_110 : i1
        %sub3A_112 = arith.constant 1 : i32
        %sub3A_113 = arith.subi %div3A_92, %sub3A_112 : i32
        %select_n3A_114 = arith.select %and3A_111, %sub3A_113, %div3A_92 : i32
        %jit3A_115 = arith.constant 8 : i32
        %eq3A_116 = arith.constant 0 : i32
        %eq3A_117 = arith.cmpi eq, %jit3A_115, %eq3A_116 : i32
        %jit3A_118 = arith.constant 1 : i32
        %select_n3A_119 = arith.select %eq3A_117, %jit3A_118, %jit3A_115 : i32
        %rem3A_120 = arith.remsi %scan3A_90, %select_n3A_119 : i32
        %ne3A_121 = arith.constant 0 : i32
        %ne3A_122 = arith.cmpi ne, %rem3A_120, %ne3A_121 : i32
        %lt3A_123 = arith.constant 0 : i32
        %lt3A_124 = arith.cmpi slt, %rem3A_120, %lt3A_123 : i32
        %lt3A_125 = arith.constant 0 : i32
        %lt3A_126 = arith.cmpi slt, %select_n3A_119, %lt3A_125 : i32
        %ne3A_127 = arith.xori %lt3A_124, %lt3A_126 : i1
        %and3A_128 = arith.andi %ne3A_127, %ne3A_122 : i1
        %add3A_129 = arith.addi %rem3A_120, %select_n3A_119 : i32
        %select_n3A_130 = arith.select %and3A_128, %add3A_129, %rem3A_120 : i32
        %mul3A_131 = arith.constant 16 : i32
        %mul3A_132 = arith.muli %select_n3A_130, %mul3A_131 : i32
        %get3A_133 = arith.index_cast %select_n3A_114 : i32 to index
        %get3A_134 = arith.index_cast %mul3A_132 : i32 to index
        %get3A_135 = tpu.vector_load %arg11[%get3A_133, %get3A_134] {strides = array<i32>} : memref<80x128xf32, #tpu.memory_space<vmem>>, vector<16xf32>,
        %get3A_136 = arith.index_cast %select_n3A_114 : i32 to index
        %get3A_137 = arith.index_cast %mul3A_132 : i32 to index
        %get3A_138 = tpu.vector_load %arg12[%get3A_136, %get3A_137] {strides = array<i32>} : memref<80x128xf32, #tpu.memory_space<vmem>>, vector<16xf32>,
        %add3A_139 = arith.addf %get3A_135, %get3A_138 : vector<16xf32>
        %max3A_140 = arith.constant 0.000000e+00 : f32
        %max3A_141 = vector.broadcast %max3A_140 : f32 to vector<16xf32>
        %max3A_142 = arith.maximumf %add3A_139, %max3A_141 : vector<16xf32>
        %swap3A_143 = arith.index_cast %select_n3A_114 : i32 to index
        %swap3A_144 = arith.index_cast %mul3A_132 : i32 to index
        %swap3A_145 = tpu.vector_load %arg11[%swap3A_143, %swap3A_144] {strides = array<i32>} : memref<80x128xf32, #tpu.memory_space<vmem>>, vector<16xf32>,
        tpu.vector_store %arg11[%swap3A_143, %swap3A_144], %max3A_142 {strides = array<i32>} : memref<80x128xf32, #tpu.memory_space<vmem>>, vector<16xf32>,
        %scan3A_146 = arith.constant 2 : i32
        %scan3A_147 = arith.addi %scan3A_45, %scan3A_146 : i32
        %jit3A_148 = arith.constant 8 : i32
        %div3A_149 = arith.divsi %scan3A_147, %jit3A_148 : i32
        %sign3A_150 = arith.constant 0 : i32
        %sign3A_151 = arith.cmpi sgt, %scan3A_147, %sign3A_150 : i32
        %sign3A_152 = arith.extui %sign3A_151 : i1 to i32
        %sign3A_153 = arith.constant 0 : i32
        %sign3A_154 = arith.cmpi slt, %scan3A_147, %sign3A_153 : i32
        %sign3A_155 = arith.extui %sign3A_154 : i1 to i32
        %sign3A_156 = arith.subi %sign3A_152, %sign3A_155 : i32
        %sign3A_157 = arith.constant 0 : i32
        %sign3A_158 = arith.cmpi sgt, %jit3A_148, %sign3A_157 : i32
        %sign3A_159 = arith.extui %sign3A_158 : i1 to i32
        %sign3A_160 = arith.constant 0 : i32
        %sign3A_161 = arith.cmpi slt, %jit3A_148, %sign3A_160 : i32
        %sign3A_162 = arith.extui %sign3A_161 : i1 to i32
        %sign3A_163 = arith.subi %sign3A_159, %sign3A_162 : i32
        %ne3A_164 = arith.cmpi ne, %sign3A_156, %sign3A_163 : i32
        %rem3A_165 = arith.remsi %scan3A_147, %jit3A_148 : i32
        %ne3A_166 = arith.constant 0 : i32
        %ne3A_167 = arith.cmpi ne, %rem3A_165, %ne3A_166 : i32
        %and3A_168 = arith.andi %ne3A_164, %ne3A_167 : i1
        %sub3A_169 = arith.constant 1 : i32
        %sub3A_170 = arith.subi %div3A_149, %sub3A_169 : i32
        %select_n3A_171 = arith.select %and3A_168, %sub3A_170, %div3A_149 : i32
        %jit3A_172 = arith.constant 8 : i32
        %eq3A_173 = arith.constant 0 : i32
        %eq3A_174 = arith.cmpi eq, %jit3A_172, %eq3A_173 : i32
        %jit3A_175 = arith.constant 1 : i32
        %select_n3A_176 = arith.select %eq3A_174, %jit3A_175, %jit3A_172 : i32
        %rem3A_177 = arith.remsi %scan3A_147, %select_n3A_176 : i32
        %ne3A_178 = arith.constant 0 : i32
        %ne3A_179 = arith.cmpi ne, %rem3A_177, %ne3A_178 : i32
        %lt3A_180 = arith.constant 0 : i32
        %lt3A_181 = arith.cmpi slt, %rem3A_177, %lt3A_180 : i32
        %lt3A_182 = arith.constant 0 : i32
        %lt3A_183 = arith.cmpi slt, %select_n3A_176, %lt3A_182 : i32
        %ne3A_184 = arith.xori %lt3A_181, %lt3A_183 : i1
        %and3A_185 = arith.andi %ne3A_184, %ne3A_179 : i1
        %add3A_186 = arith.addi %rem3A_177, %select_n3A_176 : i32
        %select_n3A_187 = arith.select %and3A_185, %add3A_186, %rem3A_177 : i32
        %mul3A_188 = arith.constant 16 : i32
        %mul3A_189 = arith.muli %select_n3A_187, %mul3A_188 : i32
        %get3A_190 = arith.index_cast %select_n3A_171 : i32 to index
        %get3A_191 = arith.index_cast %mul3A_189 : i32 to index
        %get3A_192 = tpu.vector_load %arg11[%get3A_190, %get3A_191] {strides = array<i32>} : memref<80x128xf32, #tpu.memory_space<vmem>>, vector<16xf32>,
        %get3A_193 = arith.index_cast %select_n3A_171 : i32 to index
        %get3A_194 = arith.index_cast %mul3A_189 : i32 to index
        %get3A_195 = tpu.vector_load %arg12[%get3A_193, %get3A_194] {strides = array<i32>} : memref<80x128xf32, #tpu.memory_space<vmem>>, vector<16xf32>,
        %add3A_196 = arith.addf %get3A_192, %get3A_195 : vector<16xf32>
        %max3A_197 = arith.constant 0.000000e+00 : f32
        %max3A_198 = vector.broadcast %max3A_197 : f32 to vector<16xf32>
        %max3A_199 = arith.maximumf %add3A_196, %max3A_198 : vector<16xf32>
        %swap3A_200 = arith.index_cast %select_n3A_171 : i32 to index
        %swap3A_201 = arith.index_cast %mul3A_189 : i32 to index
        %swap3A_202 = tpu.vector_load %arg11[%swap3A_200, %swap3A_201] {strides = array<i32>} : memref<80x128xf32, #tpu.memory_space<vmem>>, vector<16xf32>,
        tpu.vector_store %arg11[%swap3A_200, %swap3A_201], %max3A_199 {strides = array<i32>} : memref<80x128xf32, #tpu.memory_space<vmem>>, vector<16xf32>,
        %scan3A_203 = arith.constant 3 : i32
        %scan3A_204 = arith.addi %scan3A_45, %scan3A_203 : i32
        %jit3A_205 = arith.constant 8 : i32
        %div3A_206 = arith.divsi %scan3A_204, %jit3A_205 : i32
        %sign3A_207 = arith.constant 0 : i32
        %sign3A_208 = arith.cmpi sgt, %scan3A_204, %sign3A_207 : i32
        %sign3A_209 = arith.extui %sign3A_208 : i1 to i32
        %sign3A_210 = arith.constant 0 : i32
        %sign3A_211 = arith.cmpi slt, %scan3A_204, %sign3A_210 : i32
        %sign3A_212 = arith.extui %sign3A_211 : i1 to i32
        %sign3A_213 = arith.subi %sign3A_209, %sign3A_212 : i32
        %sign3A_214 = arith.constant 0 : i32
        %sign3A_215 = arith.cmpi sgt, %jit3A_205, %sign3A_214 : i32
        %sign3A_216 = arith.extui %sign3A_215 : i1 to i32
        %sign3A_217 = arith.constant 0 : i32
        %sign3A_218 = arith.cmpi slt, %jit3A_205, %sign3A_217 : i32
        %sign3A_219 = arith.extui %sign3A_218 : i1 to i32
        %sign3A_220 = arith.subi %sign3A_216, %sign3A_219 : i32
        %ne3A_221 = arith.cmpi ne, %sign3A_213, %sign3A_220 : i32
        %rem3A_222 = arith.remsi %scan3A_204, %jit3A_205 : i32
        %ne3A_223 = arith.constant 0 : i32
        %ne3A_224 = arith.cmpi ne, %rem3A_222, %ne3A_223 : i32
        %and3A_225 = arith.andi %ne3A_221, %ne3A_224 : i1
        %sub3A_226 = arith.constant 1 : i32
        %sub3A_227 = arith.subi %div3A_206, %sub3A_226 : i32
        %select_n3A_228 = arith.select %and3A_225, %sub3A_227, %div3A_206 : i32
        %jit3A_229 = arith.constant 8 : i32
        %eq3A_230 = arith.constant 0 : i32
        %eq3A_231 = arith.cmpi eq, %jit3A_229, %eq3A_230 : i32
        %jit3A_232 = arith.constant 1 : i32
        %select_n3A_233 = arith.select %eq3A_231, %jit3A_232, %jit3A_229 : i32
        %rem3A_234 = arith.remsi %scan3A_204, %select_n3A_233 : i32
        %ne3A_235 = arith.constant 0 : i32
        %ne3A_236 = arith.cmpi ne, %rem3A_234, %ne3A_235 : i32
        %lt3A_237 = arith.constant 0 : i32
        %lt3A_238 = arith.cmpi slt, %rem3A_234, %lt3A_237 : i32
        %lt3A_239 = arith.constant 0 : i32
        %lt3A_240 = arith.cmpi slt, %select_n3A_233, %lt3A_239 : i32
        %ne3A_241 = arith.xori %lt3A_238, %lt3A_240 : i1
        %and3A_242 = arith.andi %ne3A_241, %ne3A_236 : i1
        %add3A_243 = arith.addi %rem3A_234, %select_n3A_233 : i32
        %select_n3A_244 = arith.select %and3A_242, %add3A_243, %rem3A_234 : i32
        %mul3A_245 = arith.constant 16 : i32
        %mul3A_246 = arith.muli %select_n3A_244, %mul3A_245 : i32
        %get3A_247 = arith.index_cast %select_n3A_228 : i32 to index
        %get3A_248 = arith.index_cast %mul3A_246 : i32 to index
        %get3A_249 = tpu.vector_load %arg11[%get3A_247, %get3A_248] {strides = array<i32>} : memref<80x128xf32, #tpu.memory_space<vmem>>, vector<16xf32>,
        %get3A_250 = arith.index_cast %select_n3A_228 : i32 to index
        %get3A_251 = arith.index_cast %mul3A_246 : i32 to index
        %get3A_252 = tpu.vector_load %arg12[%get3A_250, %get3A_251] {strides = array<i32>} : memref<80x128xf32, #tpu.memory_space<vmem>>, vector<16xf32>,
        %add3A_253 = arith.addf %get3A_249, %get3A_252 : vector<16xf32>
        %max3A_254 = arith.constant 0.000000e+00 : f32
        %max3A_255 = vector.broadcast %max3A_254 : f32 to vector<16xf32>
        %max3A_256 = arith.maximumf %add3A_253, %max3A_255 : vector<16xf32>
        %swap3A_257 = arith.index_cast %select_n3A_228 : i32 to index
        %swap3A_258 = arith.index_cast %mul3A_246 : i32 to index
        %swap3A_259 = tpu.vector_load %arg11[%swap3A_257, %swap3A_258] {strides = array<i32>} : memref<80x128xf32, #tpu.memory_space<vmem>>, vector<16xf32>,
        tpu.vector_store %arg11[%swap3A_257, %swap3A_258], %max3A_256 {strides = array<i32>} : memref<80x128xf32, #tpu.memory_space<vmem>>, vector<16xf32>,
      }
      %scan3A_33 = arith.constant 640 : i32
      "tpu.region"() ({
        %run_scoped3A = tpu.sem_alloc : memref<!tpu.dma_semaphore, #tpu.memory_space<semaphore_mem>>
        %dma_start3A_45 = arith.constant 0 : i32
        %dma_start3A_46 = arith.constant 0 : i32
        %dma_start3A_47 = tpu.memref_slice %arg13[%dma_start3A_45, %dma_start3A_46] : memref<10240x128xf32, #tpu.memory_space<vmem_shared>> -> memref<10240x128xf32, #tpu.memory_space<vmem_shared>>
        tpu.enqueue_indirect_dma source(%arg11 : memref<80x128xf32, #tpu.memory_space<vmem>>) target(%dma_start3A_47 : memref<10240x128xf32, #tpu.memory_space<vmem_shared>>) offsets(%arg10 : memref<80xi32, #tpu.memory_space<vmem>>) semaphore(%run_scoped3A : memref<!tpu.dma_semaphore, #tpu.memory_space<semaphore_mem>>) {add = true}
        %dma_wait3A_48 = arith.constant 0 : i32
        %dma_wait3A_49 = arith.constant 0 : i32
        %dma_wait3A_50 = tpu.memref_slice %arg13[%dma_wait3A_48, %dma_wait3A_49] : memref<10240x128xf32, #tpu.memory_space<vmem_shared>> -> memref<10240x128xf32, #tpu.memory_space<vmem_shared>>
        tpu.wait_indirect_dma semaphore(%run_scoped3A : memref<!tpu.dma_semaphore, #tpu.memory_space<semaphore_mem>>) src(%arg11 : memref<80x128xf32, #tpu.memory_space<vmem>>) dst(%dma_wait3A_50 : memref<10240x128xf32, #tpu.memory_space<vmem_shared>>)
        tpu.yield
      }) : () -> ()
      %scan3A_34 = arith.constant 0 : i32
      %scan3A_35 = arith.constant 0 : i32
      %scan3A_36 = arith.constant 4 : i32
      %scan3A_37 = arith.addi %scan3A_35, %scan3A_36 : i32
      %scan3A_38 = arith.constant 4 : i32
      scf.for %scan3A_45 = %scan3A_35 to %scan3A_37 step %scan3A_38  : i32 {
        %mul3A_46 = arith.constant 16 : i32
        %mul3A_47 = arith.muli %scan3A_45, %mul3A_46 : i32
        %get3A_48 = arith.index_cast %mul3A_47 : i32 to index
        %get3A_49 = tpu.vector_load %arg10[%get3A_48] {strides = array<i32>} : memref<80xi32, #tpu.memory_space<vmem>>, vector<16xi32>,
        tpu.vector_store_idx %arg15[%get3A_49], %broadcast_in_dim3A_12 {add = true} : memref<10240xf32, #tpu.memory_space<vmem>>[vector<16xi32>], vector<16xf32>,
        %scan3A_50 = arith.constant 1 : i32
        %scan3A_51 = arith.addi %scan3A_45, %scan3A_50 : i32
        %mul3A_52 = arith.constant 16 : i32
        %mul3A_53 = arith.muli %scan3A_51, %mul3A_52 : i32
        %get3A_54 = arith.index_cast %mul3A_53 : i32 to index
        %get3A_55 = tpu.vector_load %arg10[%get3A_54] {strides = array<i32>} : memref<80xi32, #tpu.memory_space<vmem>>, vector<16xi32>,
        tpu.vector_store_idx %arg15[%get3A_55], %broadcast_in_dim3A_12 {add = true} : memref<10240xf32, #tpu.memory_space<vmem>>[vector<16xi32>], vector<16xf32>,
        %scan3A_56 = arith.constant 2 : i32
        %scan3A_57 = arith.addi %scan3A_45, %scan3A_56 : i32
        %mul3A_58 = arith.constant 16 : i32
        %mul3A_59 = arith.muli %scan3A_57, %mul3A_58 : i32
        %get3A_60 = arith.index_cast %mul3A_59 : i32 to index
        %get3A_61 = tpu.vector_load %arg10[%get3A_60] {strides = array<i32>} : memref<80xi32, #tpu.memory_space<vmem>>, vector<16xi32>,
        tpu.vector_store_idx %arg15[%get3A_61], %broadcast_in_dim3A_12 {add = true} : memref<10240xf32, #tpu.memory_space<vmem>>[vector<16xi32>], vector<16xf32>,
        %scan3A_62 = arith.constant 3 : i32
        %scan3A_63 = arith.addi %scan3A_45, %scan3A_62 : i32
        %mul3A_64 = arith.constant 16 : i32
        %mul3A_65 = arith.muli %scan3A_63, %mul3A_64 : i32
        %get3A_66 = arith.index_cast %mul3A_65 : i32 to index
        %get3A_67 = tpu.vector_load %arg10[%get3A_66] {strides = array<i32>} : memref<80xi32, #tpu.memory_space<vmem>>, vector<16xi32>,
        tpu.vector_store_idx %arg15[%get3A_67], %broadcast_in_dim3A_12 {add = true} : memref<10240xf32, #tpu.memory_space<vmem>>[vector<16xi32>], vector<16xf32>,
      }
      %scan3A_39 = arith.constant 4 : i32
      %scan3A_40 = arith.addi %scan3A_35, %scan3A_39 : i32
      %mul3A_41 = arith.constant 16 : i32
      %mul3A_42 = arith.muli %scan3A_40, %mul3A_41 : i32
      %get3A = arith.index_cast %mul3A_42 : i32 to index
      %get3A_43 = tpu.vector_load %arg10[%get3A] {strides = array<i32>} : memref<80xi32, #tpu.memory_space<vmem>>, vector<16xi32>,
      tpu.vector_store_idx %arg15[%get3A_43], %broadcast_in_dim3A_12 {add = true} : memref<10240xf32, #tpu.memory_space<vmem>>[vector<16xi32>], vector<16xf32>,
      %scan3A_44 = arith.constant 5 : i32
    }
    %scan3A_18 = arith.constant 125 : i32
    %barrier3A_19 = arith.constant 0 : index
    tpu.barrier barrier_id(%barrier3A_19)
    "tpu.region"() ({
      %run_scoped3A = tpu.sem_alloc : memref<!tpu.dma_semaphore, #tpu.memory_space<semaphore_mem>>
      %dma_start3A = arith.constant 0 : i32
      %dma_start3A_20 = tpu.memref_slice %arg7[%arg0, %mul3A_0, %dma_start3A] : memref<2x10240x128xf32, #tpu.memory_space<hbm>> -> memref<1x640x128xf32, #tpu.memory_space<hbm>>
      %dma_start3A_21 = tpu.memref_squeeze %dma_start3A_20 : memref<1x640x128xf32, #tpu.memory_space<hbm>> -> memref<640x128xf32, #tpu.memory_space<hbm>>
      %dma_start3A_22 = arith.constant 0 : i32
      %dma_start3A_23 = tpu.memref_slice %arg13[%mul3A_0, %dma_start3A_22] : memref<10240x128xf32, #tpu.memory_space<vmem_shared>> -> memref<640x128xf32, #tpu.memory_space<vmem_shared>>
      tpu.enqueue_dma source(%dma_start3A_23 : memref<640x128xf32, #tpu.memory_space<vmem_shared>>) target(%dma_start3A_21 : memref<640x128xf32, #tpu.memory_space<hbm>>) target_semaphore(%run_scoped3A : memref<!tpu.dma_semaphore, #tpu.memory_space<semaphore_mem>>)
      %dma_wait3A = arith.constant 0 : i32
      %dma_wait3A_24 = tpu.memref_slice %arg7[%arg0, %mul3A_0, %dma_wait3A] : memref<2x10240x128xf32, #tpu.memory_space<hbm>> -> memref<1x640x128xf32, #tpu.memory_space<hbm>>
      %dma_wait3A_25 = tpu.memref_squeeze %dma_wait3A_24 : memref<1x640x128xf32, #tpu.memory_space<hbm>> -> memref<640x128xf32, #tpu.memory_space<hbm>>
      %dma_wait3A_26 = arith.constant 0 : i32
      %dma_wait3A_27 = tpu.memref_slice %arg13[%mul3A_0, %dma_wait3A_26] : memref<10240x128xf32, #tpu.memory_space<vmem_shared>> -> memref<640x128xf32, #tpu.memory_space<vmem_shared>>
      tpu.wait_dma2 semaphore(%run_scoped3A : memref<!tpu.dma_semaphore, #tpu.memory_space<semaphore_mem>>) src(%dma_wait3A_27 : memref<640x128xf32, #tpu.memory_space<vmem_shared>>) dst(%dma_wait3A_25 : memref<640x128xf32, #tpu.memory_space<hbm>>)
      tpu.yield
    }) : () -> ()
    "tpu.region"() ({
      %run_scoped3A = tpu.sem_alloc : memref<!tpu.dma_semaphore, #tpu.memory_space<semaphore_mem>>
      %dma_start3A = arith.constant 0 : i32
      %dma_start3A_20 = tpu.memref_slice %arg8[%arg0, %arg1, %dma_start3A] : memref<2x16x10240xf32, #tpu.memory_space<hbm>> -> memref<1x1x10240xf32, #tpu.memory_space<hbm>>
      %dma_start3A_21 = tpu.memref_squeeze %dma_start3A_20 : memref<1x1x10240xf32, #tpu.memory_space<hbm>> -> memref<10240xf32, #tpu.memory_space<hbm>>
      %dma_start3A_22 = arith.constant 0 : i32
      %dma_start3A_23 = tpu.memref_slice %arg8[%arg0, %arg1, %dma_start3A_22] : memref<2x16x10240xf32, #tpu.memory_space<hbm>> -> memref<1x1x10240xf32, #tpu.memory_space<hbm>>
      %dma_start3A_24 = tpu.memref_squeeze %dma_start3A_23 : memref<1x1x10240xf32, #tpu.memory_space<hbm>> -> memref<10240xf32, #tpu.memory_space<hbm>>
      tpu.enqueue_dma source(%arg15 : memref<10240xf32, #tpu.memory_space<vmem>>) target(%dma_start3A_24 : memref<10240xf32, #tpu.memory_space<hbm>>) target_semaphore(%run_scoped3A : memref<!tpu.dma_semaphore, #tpu.memory_space<semaphore_mem>>)
      %dma_wait3A = arith.constant 0 : i32
      %dma_wait3A_25 = tpu.memref_slice %arg8[%arg0, %arg1, %dma_wait3A] : memref<2x16x10240xf32, #tpu.memory_space<hbm>> -> memref<1x1x10240xf32, #tpu.memory_space<hbm>>
      %dma_wait3A_26 = tpu.memref_squeeze %dma_wait3A_25 : memref<1x1x10240xf32, #tpu.memory_space<hbm>> -> memref<10240xf32, #tpu.memory_space<hbm>>
      %dma_wait3A_27 = arith.constant 0 : i32
      %dma_wait3A_28 = tpu.memref_slice %arg8[%arg0, %arg1, %dma_wait3A_27] : memref<2x16x10240xf32, #tpu.memory_space<hbm>> -> memref<1x1x10240xf32, #tpu.memory_space<hbm>>
      %dma_wait3A_29 = tpu.memref_squeeze %dma_wait3A_28 : memref<1x1x10240xf32, #tpu.memory_space<hbm>> -> memref<10240xf32, #tpu.memory_space<hbm>>
      tpu.wait_dma2 semaphore(%run_scoped3A : memref<!tpu.dma_semaphore, #tpu.memory_space<semaphore_mem>>) src(%arg15 : memref<10240xf32, #tpu.memory_space<vmem>>) dst(%dma_wait3A_29 : memref<10240xf32, #tpu.memory_space<hbm>>)
      tpu.yield
    }) : () -> ()
    return
  }
}

module attributes {stable_mosaic.version = 14 : i64} {
  func.func @_mm_body(%arg0: i32, %arg1: memref<1024x128xf32, #tpu.memory_space<vmem>>, %arg2: memref<128x128xf32, #tpu.memory_space<vmem>>, %arg3: memref<1024x128xf32, #tpu.memory_space<vmem>>) attributes {dimension_semantics = [#tpu.dimension_semantics<arbitrary>], iteration_bounds = array<i64: 10>, scalar_prefetch = 0 : i64, scratch_operands = 0 : i64, tpu.core_type = #tpu.core_type<tc>, window_params = [{transform_indices = @transform_0, window_bounds = array<i64: 1024, 128>}, {pipeline_mode = #tpu.pipeline_mode<synchronous>, transform_indices = @transform_1, window_bounds = array<i64: 128, 128>}, {transform_indices = @transform_2, window_bounds = array<i64: 1024, 128>}]} {
    %get3A = arith.constant 0 : index
    %get3A_0 = arith.constant 0 : index
    %get3A_1 = vector.load %arg1[%get3A, %get3A_0] : memref<1024x128xf32, #tpu.memory_space<vmem>>, vector<1024x128xf32>
    %get3A_2 = arith.constant 0 : index
    %get3A_3 = arith.constant 0 : index
    %get3A_4 = vector.load %arg2[%get3A_2, %get3A_3] : memref<128x128xf32, #tpu.memory_space<vmem>>, vector<128x128xf32>
    %dot_general3A = arith.constant dense<0.000000e+00> : vector<1024x128xf32>
    %dot_general3A_5 = tpu.matmul %get3A_1, %get3A_4, %dot_general3A {dimension_numbers = #tpu.dot_dimension_numbers<[1], [0], [0], [1], [0, 0, 1, 1], [], []>, transpose_lhs_hint = false} : vector<1024x128xf32>, vector<128x128xf32>, vector<1024x128xf32> -> vector<1024x128xf32>
    %swap3A = arith.constant 0 : index
    %swap3A_6 = arith.constant 0 : index
    %swap3A_7 = vector.load %arg3[%swap3A, %swap3A_6] : memref<1024x128xf32, #tpu.memory_space<vmem>>, vector<1024x128xf32>
    tpu.vector_store %arg3[%swap3A, %swap3A_6], %dot_general3A_5 {strides = array<i32>} : memref<1024x128xf32, #tpu.memory_space<vmem>>, vector<1024x128xf32>,
    return
  }
  func.func @transform_0(%arg0: i32) -> (i32, i32) {
    %c0_i32 = arith.constant 0 : i32
    %c0_i32_0 = arith.constant 0 : i32
    return %arg0, %c0_i32 : i32, i32
  }
  func.func @transform_1(%arg0: i32) -> (i32, i32) {
    %c0_i32 = arith.constant 0 : i32
    %c0_i32_0 = arith.constant 0 : i32
    %c0_i32_1 = arith.constant 0 : i32
    return %c0_i32, %c0_i32_0 : i32, i32
  }
  func.func @transform_2(%arg0: i32) -> (i32, i32) {
    %c0_i32 = arith.constant 0 : i32
    %c0_i32_0 = arith.constant 0 : i32
    return %arg0, %c0_i32 : i32, i32
  }
}

module attributes {stable_mosaic.version = 14 : i64} {
  func.func @_em_body(%arg0: i32, %arg1: memref<4000x16xf32, #tpu.memory_space<vmem>>, %arg2: memref<16x128xf32, #tpu.memory_space<vmem>>, %arg3: memref<1x128xf32, #tpu.memory_space<vmem>>, %arg4: memref<16x128xf32, #tpu.memory_space<vmem>>, %arg5: memref<1x128xf32, #tpu.memory_space<vmem>>, %arg6: memref<4000x128xf32, #tpu.memory_space<vmem>>, %arg7: memref<4000x128xf32, #tpu.memory_space<vmem>>) attributes {dimension_semantics = [#tpu.dimension_semantics<arbitrary>], iteration_bounds = array<i64: 80>, scalar_prefetch = 0 : i64, scratch_operands = 0 : i64, tpu.core_type = #tpu.core_type<tc>, window_params = [{transform_indices = @transform_0, window_bounds = array<i64: 4000, 16>}, {pipeline_mode = #tpu.pipeline_mode<synchronous>, transform_indices = @transform_1, window_bounds = array<i64: 16, 128>}, {pipeline_mode = #tpu.pipeline_mode<synchronous>, transform_indices = @transform_2, window_bounds = array<i64: 1, 128>}, {pipeline_mode = #tpu.pipeline_mode<synchronous>, transform_indices = @transform_3, window_bounds = array<i64: 16, 128>}, {pipeline_mode = #tpu.pipeline_mode<synchronous>, transform_indices = @transform_4, window_bounds = array<i64: 1, 128>}, {transform_indices = @transform_5, window_bounds = array<i64: 4000, 128>}, {transform_indices = @transform_6, window_bounds = array<i64: 4000, 128>}]} {
    %get3A = arith.constant 0 : index
    %get3A_0 = arith.constant 0 : index
    %get3A_1 = vector.load %arg1[%get3A, %get3A_0] : memref<4000x16xf32, #tpu.memory_space<vmem>>, vector<4000x16xf32>
    %get3A_2 = arith.constant 0 : index
    %get3A_3 = arith.constant 0 : index
    %get3A_4 = vector.load %arg2[%get3A_2, %get3A_3] : memref<16x128xf32, #tpu.memory_space<vmem>>, vector<16x128xf32>
    %dot_general3A = arith.constant dense<0.000000e+00> : vector<4000x128xf32>
    %dot_general3A_5 = tpu.matmul %get3A_1, %get3A_4, %dot_general3A {dimension_numbers = #tpu.dot_dimension_numbers<[1], [0], [0], [1], [0, 0, 1, 1], [], []>, transpose_lhs_hint = false} : vector<4000x16xf32>, vector<16x128xf32>, vector<4000x128xf32> -> vector<4000x128xf32>
    %get3A_6 = arith.constant 0 : index
    %get3A_7 = arith.constant 0 : index
    %get3A_8 = vector.load %arg3[%get3A_6, %get3A_7] : memref<1x128xf32, #tpu.memory_space<vmem>>, vector<1x128xf32>
    %add3A = vector.broadcast %get3A_8 : vector<1x128xf32> to vector<4000x128xf32>
    %add3A_9 = arith.addf %dot_general3A_5, %add3A : vector<4000x128xf32>
    %swap3A = arith.constant 0 : index
    %swap3A_10 = arith.constant 0 : index
    %swap3A_11 = vector.load %arg6[%swap3A, %swap3A_10] : memref<4000x128xf32, #tpu.memory_space<vmem>>, vector<4000x128xf32>
    tpu.vector_store %arg6[%swap3A, %swap3A_10], %add3A_9 {strides = array<i32>} : memref<4000x128xf32, #tpu.memory_space<vmem>>, vector<4000x128xf32>,
    %get3A_12 = arith.constant 0 : index
    %get3A_13 = arith.constant 0 : index
    %get3A_14 = vector.load %arg4[%get3A_12, %get3A_13] : memref<16x128xf32, #tpu.memory_space<vmem>>, vector<16x128xf32>
    %dot_general3A_15 = arith.constant dense<0.000000e+00> : vector<4000x128xf32>
    %dot_general3A_16 = tpu.matmul %get3A_1, %get3A_14, %dot_general3A_15 {dimension_numbers = #tpu.dot_dimension_numbers<[1], [0], [0], [1], [0, 0, 1, 1], [], []>, transpose_lhs_hint = false} : vector<4000x16xf32>, vector<16x128xf32>, vector<4000x128xf32> -> vector<4000x128xf32>
    %get3A_17 = arith.constant 0 : index
    %get3A_18 = arith.constant 0 : index
    %get3A_19 = vector.load %arg5[%get3A_17, %get3A_18] : memref<1x128xf32, #tpu.memory_space<vmem>>, vector<1x128xf32>
    %add3A_20 = vector.broadcast %get3A_19 : vector<1x128xf32> to vector<4000x128xf32>
    %add3A_21 = arith.addf %dot_general3A_16, %add3A_20 : vector<4000x128xf32>
    %swap3A_22 = arith.constant 0 : index
    %swap3A_23 = arith.constant 0 : index
    %swap3A_24 = vector.load %arg7[%swap3A_22, %swap3A_23] : memref<4000x128xf32, #tpu.memory_space<vmem>>, vector<4000x128xf32>
    tpu.vector_store %arg7[%swap3A_22, %swap3A_23], %add3A_21 {strides = array<i32>} : memref<4000x128xf32, #tpu.memory_space<vmem>>, vector<4000x128xf32>,
    return
  }
  func.func @transform_0(%arg0: i32) -> (i32, i32) {
    %c0_i32 = arith.constant 0 : i32
    %c0_i32_0 = arith.constant 0 : i32
    return %arg0, %c0_i32 : i32, i32
  }
  func.func @transform_1(%arg0: i32) -> (i32, i32) {
    %c0_i32 = arith.constant 0 : i32
    %c0_i32_0 = arith.constant 0 : i32
    %c0_i32_1 = arith.constant 0 : i32
    return %c0_i32, %c0_i32_0 : i32, i32
  }
  func.func @transform_2(%arg0: i32) -> (i32, i32) {
    %c0_i32 = arith.constant 0 : i32
    %c0_i32_0 = arith.constant 0 : i32
    %c0_i32_1 = arith.constant 0 : i32
    return %c0_i32, %c0_i32_0 : i32, i32
  }
  func.func @transform_3(%arg0: i32) -> (i32, i32) {
    %c0_i32 = arith.constant 0 : i32
    %c0_i32_0 = arith.constant 0 : i32
    %c0_i32_1 = arith.constant 0 : i32
    return %c0_i32, %c0_i32_0 : i32, i32
  }
  func.func @transform_4(%arg0: i32) -> (i32, i32) {
    %c0_i32 = arith.constant 0 : i32
    %c0_i32_0 = arith.constant 0 : i32
    %c0_i32_1 = arith.constant 0 : i32
    return %c0_i32, %c0_i32_0 : i32, i32
  }
  func.func @transform_5(%arg0: i32) -> (i32, i32) {
    %c0_i32 = arith.constant 0 : i32
    %c0_i32_0 = arith.constant 0 : i32
    return %arg0, %c0_i32 : i32, i32
  }
  func.func @transform_6(%arg0: i32) -> (i32, i32) {
    %c0_i32 = arith.constant 0 : i32
    %c0_i32_0 = arith.constant 0 : i32
    return %arg0, %c0_i32 : i32, i32
  }
}

module attributes {stable_mosaic.version = 14 : i64} {
  func.func @_upd_body(%arg0: i32, %arg1: memref<2x1024x128xf32, #tpu.memory_space<vmem>>, %arg2: memref<2x16x1024xf32, #tpu.memory_space<vmem>>, %arg3: memref<1024x128xf32, #tpu.memory_space<vmem>>, %arg4: memref<128x128xf32, #tpu.memory_space<vmem>>, %arg5: memref<128x128xf32, #tpu.memory_space<vmem>>, %arg6: memref<1x128xf32, #tpu.memory_space<vmem>>, %arg7: memref<128x128xf32, #tpu.memory_space<vmem>>, %arg8: memref<1024x128xf32, #tpu.memory_space<vmem>>, %arg9: memref<1024x128xf32, #tpu.memory_space<vmem>>) attributes {dimension_semantics = [#tpu.dimension_semantics<arbitrary>], iteration_bounds = array<i64: 10>, scalar_prefetch = 0 : i64, scratch_operands = 0 : i64, tpu.core_type = #tpu.core_type<tc>, window_params = [{transform_indices = @transform_0, window_bounds = array<i64: 2, 1024, 128>}, {transform_indices = @transform_1, window_bounds = array<i64: 2, 16, 1024>}, {transform_indices = @transform_2, window_bounds = array<i64: 1024, 128>}, {pipeline_mode = #tpu.pipeline_mode<synchronous>, transform_indices = @transform_3, window_bounds = array<i64: 128, 128>}, {pipeline_mode = #tpu.pipeline_mode<synchronous>, transform_indices = @transform_4, window_bounds = array<i64: 128, 128>}, {pipeline_mode = #tpu.pipeline_mode<synchronous>, transform_indices = @transform_5, window_bounds = array<i64: 1, 128>}, {pipeline_mode = #tpu.pipeline_mode<synchronous>, transform_indices = @transform_6, window_bounds = array<i64: 128, 128>}, {transform_indices = @transform_7, window_bounds = array<i64: 1024, 128>}, {transform_indices = @transform_8, window_bounds = array<i64: 1024, 128>}]} {
    %get3A = arith.constant 0 : index
    %get3A_0 = arith.constant 0 : index
    %get3A_1 = arith.constant 0 : index
    %get3A_2 = vector.load %arg1[%get3A, %get3A_0, %get3A_1] : memref<2x1024x128xf32, #tpu.memory_space<vmem>>, vector<1x1024x128xf32>
    %get3A_3 = vector.shape_cast %get3A_2 : vector<1x1024x128xf32> to vector<1024x128xf32>
    %get3A_4 = arith.constant 1 : index
    %get3A_5 = arith.constant 0 : index
    %get3A_6 = arith.constant 0 : index
    %get3A_7 = vector.load %arg1[%get3A_4, %get3A_5, %get3A_6] : memref<2x1024x128xf32, #tpu.memory_space<vmem>>, vector<1x1024x128xf32>
    %get3A_8 = vector.shape_cast %get3A_7 : vector<1x1024x128xf32> to vector<1024x128xf32>
    %add3A = arith.addf %get3A_3, %get3A_8 : vector<1024x128xf32>
    %get3A_9 = arith.constant 0 : index
    %get3A_10 = arith.constant 0 : index
    %get3A_11 = arith.constant 0 : index
    %get3A_12 = vector.load %arg2[%get3A_9, %get3A_10, %get3A_11] : memref<2x16x1024xf32, #tpu.memory_space<vmem>>, vector<2x16x1024xf32>
    %reduce_sum3A = arith.constant dense<0.000000e+00> : vector<1024xf32>
    %reduce_sum3A_13 = vector.multi_reduction <add>, %get3A_12, %reduce_sum3A [0, 1] : vector<2x16x1024xf32> to vector<1024xf32>
    %broadcast_in_dim3A = vector.shape_cast %reduce_sum3A_13 : vector<1024xf32> to vector<1024x1xf32>
    %max3A = arith.constant 1.000000e+00 : f32
    %max3A_14 = vector.broadcast %max3A : f32 to vector<1024x1xf32>
    %max3A_15 = arith.maximumf %broadcast_in_dim3A, %max3A_14 : vector<1024x1xf32>
    %div3A = vector.broadcast %max3A_15 : vector<1024x1xf32> to vector<1024x128xf32>
    %div3A_16 = arith.divf %add3A, %div3A : vector<1024x128xf32>
    %get3A_17 = arith.constant 0 : index
    %get3A_18 = arith.constant 0 : index
    %get3A_19 = vector.load %arg3[%get3A_17, %get3A_18] : memref<1024x128xf32, #tpu.memory_space<vmem>>, vector<1024x128xf32>
    %get3A_20 = arith.constant 0 : index
    %get3A_21 = arith.constant 0 : index
    %get3A_22 = vector.load %arg4[%get3A_20, %get3A_21] : memref<128x128xf32, #tpu.memory_space<vmem>>, vector<128x128xf32>
    %dot_general3A = arith.constant dense<0.000000e+00> : vector<1024x128xf32>
    %dot_general3A_23 = tpu.matmul %get3A_19, %get3A_22, %dot_general3A {dimension_numbers = #tpu.dot_dimension_numbers<[1], [0], [0], [1], [0, 0, 1, 1], [], []>, transpose_lhs_hint = false} : vector<1024x128xf32>, vector<128x128xf32>, vector<1024x128xf32> -> vector<1024x128xf32>
    %get3A_24 = arith.constant 0 : index
    %get3A_25 = arith.constant 0 : index
    %get3A_26 = vector.load %arg5[%get3A_24, %get3A_25] : memref<128x128xf32, #tpu.memory_space<vmem>>, vector<128x128xf32>
    %dot_general3A_27 = arith.constant dense<0.000000e+00> : vector<1024x128xf32>
    %dot_general3A_28 = tpu.matmul %div3A_16, %get3A_26, %dot_general3A_27 {dimension_numbers = #tpu.dot_dimension_numbers<[1], [0], [0], [1], [0, 0, 1, 1], [], []>, transpose_lhs_hint = false} : vector<1024x128xf32>, vector<128x128xf32>, vector<1024x128xf32> -> vector<1024x128xf32>
    %add3A_29 = arith.addf %dot_general3A_23, %dot_general3A_28 : vector<1024x128xf32>
    %get3A_30 = arith.constant 0 : index
    %get3A_31 = arith.constant 0 : index
    %get3A_32 = vector.load %arg6[%get3A_30, %get3A_31] : memref<1x128xf32, #tpu.memory_space<vmem>>, vector<1x128xf32>
    %add3A_33 = vector.broadcast %get3A_32 : vector<1x128xf32> to vector<1024x128xf32>
    %add3A_34 = arith.addf %add3A_29, %add3A_33 : vector<1024x128xf32>
    %max3A_35 = arith.constant 0.000000e+00 : f32
    %max3A_36 = vector.broadcast %max3A_35 : f32 to vector<1024x128xf32>
    %max3A_37 = arith.maximumf %add3A_34, %max3A_36 : vector<1024x128xf32>
    %swap3A = arith.constant 0 : index
    %swap3A_38 = arith.constant 0 : index
    %swap3A_39 = vector.load %arg8[%swap3A, %swap3A_38] : memref<1024x128xf32, #tpu.memory_space<vmem>>, vector<1024x128xf32>
    tpu.vector_store %arg8[%swap3A, %swap3A_38], %max3A_37 {strides = array<i32>} : memref<1024x128xf32, #tpu.memory_space<vmem>>, vector<1024x128xf32>,
    %get3A_40 = arith.constant 0 : index
    %get3A_41 = arith.constant 0 : index
    %get3A_42 = vector.load %arg7[%get3A_40, %get3A_41] : memref<128x128xf32, #tpu.memory_space<vmem>>, vector<128x128xf32>
    %dot_general3A_43 = arith.constant dense<0.000000e+00> : vector<1024x128xf32>
    %dot_general3A_44 = tpu.matmul %max3A_37, %get3A_42, %dot_general3A_43 {dimension_numbers = #tpu.dot_dimension_numbers<[1], [0], [0], [1], [0, 0, 1, 1], [], []>, transpose_lhs_hint = false} : vector<1024x128xf32>, vector<128x128xf32>, vector<1024x128xf32> -> vector<1024x128xf32>
    %swap3A_45 = arith.constant 0 : index
    %swap3A_46 = arith.constant 0 : index
    %swap3A_47 = vector.load %arg9[%swap3A_45, %swap3A_46] : memref<1024x128xf32, #tpu.memory_space<vmem>>, vector<1024x128xf32>
    tpu.vector_store %arg9[%swap3A_45, %swap3A_46], %dot_general3A_44 {strides = array<i32>} : memref<1024x128xf32, #tpu.memory_space<vmem>>, vector<1024x128xf32>,
    return
  }
  func.func @transform_0(%arg0: i32) -> (i32, i32, i32) {
    %c0_i32 = arith.constant 0 : i32
    %c0_i32_0 = arith.constant 0 : i32
    %c0_i32_1 = arith.constant 0 : i32
    return %c0_i32, %arg0, %c0_i32_0 : i32, i32, i32
  }
  func.func @transform_1(%arg0: i32) -> (i32, i32, i32) {
    %c0_i32 = arith.constant 0 : i32
    %c0_i32_0 = arith.constant 0 : i32
    %c0_i32_1 = arith.constant 0 : i32
    return %c0_i32, %c0_i32_0, %arg0 : i32, i32, i32
  }
  func.func @transform_2(%arg0: i32) -> (i32, i32) {
    %c0_i32 = arith.constant 0 : i32
    %c0_i32_0 = arith.constant 0 : i32
    return %arg0, %c0_i32 : i32, i32
  }
  func.func @transform_3(%arg0: i32) -> (i32, i32) {
    %c0_i32 = arith.constant 0 : i32
    %c0_i32_0 = arith.constant 0 : i32
    %c0_i32_1 = arith.constant 0 : i32
    return %c0_i32, %c0_i32_0 : i32, i32
  }
  func.func @transform_4(%arg0: i32) -> (i32, i32) {
    %c0_i32 = arith.constant 0 : i32
    %c0_i32_0 = arith.constant 0 : i32
    %c0_i32_1 = arith.constant 0 : i32
    return %c0_i32, %c0_i32_0 : i32, i32
  }
  func.func @transform_5(%arg0: i32) -> (i32, i32) {
    %c0_i32 = arith.constant 0 : i32
    %c0_i32_0 = arith.constant 0 : i32
    %c0_i32_1 = arith.constant 0 : i32
    return %c0_i32, %c0_i32_0 : i32, i32
  }
  func.func @transform_6(%arg0: i32) -> (i32, i32) {
    %c0_i32 = arith.constant 0 : i32
    %c0_i32_0 = arith.constant 0 : i32
    %c0_i32_1 = arith.constant 0 : i32
    return %c0_i32, %c0_i32_0 : i32, i32
  }
  func.func @transform_7(%arg0: i32) -> (i32, i32) {
    %c0_i32 = arith.constant 0 : i32
    %c0_i32_0 = arith.constant 0 : i32
    return %arg0, %c0_i32 : i32, i32
  }
  func.func @transform_8(%arg0: i32) -> (i32, i32) {
    %c0_i32 = arith.constant 0 : i32
    %c0_i32_0 = arith.constant 0 : i32
    return %arg0, %c0_i32 : i32, i32
  }
}

module attributes {stable_mosaic.version = 14 : i64} {
  func.func @_final_body(%arg0: i32, %arg1: memref<2x1024x128xf32, #tpu.memory_space<vmem>>, %arg2: memref<2x16x1024xf32, #tpu.memory_space<vmem>>, %arg3: memref<1024x128xf32, #tpu.memory_space<vmem>>, %arg4: memref<1x1x1024xi32, #tpu.memory_space<vmem>>, %arg5: memref<128x128xf32, #tpu.memory_space<vmem>>, %arg6: memref<128x128xf32, #tpu.memory_space<vmem>>, %arg7: memref<1x128xf32, #tpu.memory_space<vmem>>, %arg8: memref<64x128xf32, #tpu.memory_space<vmem>>, %arg9: memref<64x128xf32, #tpu.memory_space<vmem>>, %arg10: memref<64x1xf32, #tpu.memory_space<vmem>>) attributes {dimension_semantics = [#tpu.dimension_semantics<arbitrary>], iteration_bounds = array<i64: 10>, scalar_prefetch = 0 : i64, scratch_operands = 2 : i64, tpu.core_type = #tpu.core_type<tc>, window_params = [{transform_indices = @transform_0, window_bounds = array<i64: 2, 1024, 128>}, {transform_indices = @transform_1, window_bounds = array<i64: 2, 16, 1024>}, {transform_indices = @transform_2, window_bounds = array<i64: 1024, 128>}, {transform_indices = @transform_3, window_bounds = array<i64: 1, 1, 1024>}, {pipeline_mode = #tpu.pipeline_mode<synchronous>, transform_indices = @transform_4, window_bounds = array<i64: 128, 128>}, {pipeline_mode = #tpu.pipeline_mode<synchronous>, transform_indices = @transform_5, window_bounds = array<i64: 128, 128>}, {pipeline_mode = #tpu.pipeline_mode<synchronous>, transform_indices = @transform_6, window_bounds = array<i64: 1, 128>}, {pipeline_mode = #tpu.pipeline_mode<synchronous>, transform_indices = @transform_7, window_bounds = array<i64: 64, 128>}]} {
    %eq3A = arith.constant 0 : i32
    %eq3A_0 = arith.cmpi eq, %arg0, %eq3A : i32
    %convert_element_type3A = arith.extui %eq3A_0 : i1 to i32
    %cond3A = arith.constant 0 : i32
    %cond3A_1 = arith.cmpi ne, %convert_element_type3A, %cond3A : i32
    scf.if %cond3A_1 {
      %broadcast_in_dim3A_73 = arith.constant 0.000000e+00 : f32
      %broadcast_in_dim3A_74 = vector.broadcast %broadcast_in_dim3A_73 : f32 to vector<64x128xf32>
      %swap3A_75 = arith.constant 0 : index
      %swap3A_76 = arith.constant 0 : index
      %swap3A_77 = vector.load %arg9[%swap3A_75, %swap3A_76] : memref<64x128xf32, #tpu.memory_space<vmem>>, vector<64x128xf32>
      tpu.vector_store %arg9[%swap3A_75, %swap3A_76], %broadcast_in_dim3A_74 {strides = array<i32>} : memref<64x128xf32, #tpu.memory_space<vmem>>, vector<64x128xf32>,
      %broadcast_in_dim3A_78 = arith.constant 0.000000e+00 : f32
      %broadcast_in_dim3A_79 = vector.broadcast %broadcast_in_dim3A_78 : f32 to vector<64x1xf32>
      %swap3A_80 = arith.constant 0 : index
      %swap3A_81 = arith.constant 0 : index
      %swap3A_82 = vector.load %arg10[%swap3A_80, %swap3A_81] : memref<64x1xf32, #tpu.memory_space<vmem>>, vector<64x1xf32>
      tpu.vector_store %arg10[%swap3A_80, %swap3A_81], %broadcast_in_dim3A_79 {strides = array<i32>} : memref<64x1xf32, #tpu.memory_space<vmem>>, vector<64x1xf32>,
    } else {
    }
    %get3A = arith.constant 0 : index
    %get3A_2 = arith.constant 0 : index
    %get3A_3 = arith.constant 0 : index
    %get3A_4 = vector.load %arg1[%get3A, %get3A_2, %get3A_3] : memref<2x1024x128xf32, #tpu.memory_space<vmem>>, vector<1x1024x128xf32>
    %get3A_5 = vector.shape_cast %get3A_4 : vector<1x1024x128xf32> to vector<1024x128xf32>
    %get3A_6 = arith.constant 1 : index
    %get3A_7 = arith.constant 0 : index
    %get3A_8 = arith.constant 0 : index
    %get3A_9 = vector.load %arg1[%get3A_6, %get3A_7, %get3A_8] : memref<2x1024x128xf32, #tpu.memory_space<vmem>>, vector<1x1024x128xf32>
    %get3A_10 = vector.shape_cast %get3A_9 : vector<1x1024x128xf32> to vector<1024x128xf32>
    %add3A = arith.addf %get3A_5, %get3A_10 : vector<1024x128xf32>
    %get3A_11 = arith.constant 0 : index
    %get3A_12 = arith.constant 0 : index
    %get3A_13 = arith.constant 0 : index
    %get3A_14 = vector.load %arg2[%get3A_11, %get3A_12, %get3A_13] : memref<2x16x1024xf32, #tpu.memory_space<vmem>>, vector<2x16x1024xf32>
    %reduce_sum3A = arith.constant dense<0.000000e+00> : vector<1024xf32>
    %reduce_sum3A_15 = vector.multi_reduction <add>, %get3A_14, %reduce_sum3A [0, 1] : vector<2x16x1024xf32> to vector<1024xf32>
    %broadcast_in_dim3A = vector.shape_cast %reduce_sum3A_15 : vector<1024xf32> to vector<1024x1xf32>
    %max3A = arith.constant 1.000000e+00 : f32
    %max3A_16 = vector.broadcast %max3A : f32 to vector<1024x1xf32>
    %max3A_17 = arith.maximumf %broadcast_in_dim3A, %max3A_16 : vector<1024x1xf32>
    %div3A = vector.broadcast %max3A_17 : vector<1024x1xf32> to vector<1024x128xf32>
    %div3A_18 = arith.divf %add3A, %div3A : vector<1024x128xf32>
    %get3A_19 = arith.constant 0 : index
    %get3A_20 = arith.constant 0 : index
    %get3A_21 = vector.load %arg3[%get3A_19, %get3A_20] : memref<1024x128xf32, #tpu.memory_space<vmem>>, vector<1024x128xf32>
    %get3A_22 = arith.constant 0 : index
    %get3A_23 = arith.constant 0 : index
    %get3A_24 = vector.load %arg5[%get3A_22, %get3A_23] : memref<128x128xf32, #tpu.memory_space<vmem>>, vector<128x128xf32>
    %dot_general3A = arith.constant dense<0.000000e+00> : vector<1024x128xf32>
    %dot_general3A_25 = tpu.matmul %get3A_21, %get3A_24, %dot_general3A {dimension_numbers = #tpu.dot_dimension_numbers<[1], [0], [0], [1], [0, 0, 1, 1], [], []>, transpose_lhs_hint = false} : vector<1024x128xf32>, vector<128x128xf32>, vector<1024x128xf32> -> vector<1024x128xf32>
    %get3A_26 = arith.constant 0 : index
    %get3A_27 = arith.constant 0 : index
    %get3A_28 = vector.load %arg6[%get3A_26, %get3A_27] : memref<128x128xf32, #tpu.memory_space<vmem>>, vector<128x128xf32>
    %dot_general3A_29 = arith.constant dense<0.000000e+00> : vector<1024x128xf32>
    %dot_general3A_30 = tpu.matmul %div3A_18, %get3A_28, %dot_general3A_29 {dimension_numbers = #tpu.dot_dimension_numbers<[1], [0], [0], [1], [0, 0, 1, 1], [], []>, transpose_lhs_hint = false} : vector<1024x128xf32>, vector<128x128xf32>, vector<1024x128xf32> -> vector<1024x128xf32>
    %add3A_31 = arith.addf %dot_general3A_25, %dot_general3A_30 : vector<1024x128xf32>
    %get3A_32 = arith.constant 0 : index
    %get3A_33 = arith.constant 0 : index
    %get3A_34 = vector.load %arg7[%get3A_32, %get3A_33] : memref<1x128xf32, #tpu.memory_space<vmem>>, vector<1x128xf32>
    %add3A_35 = vector.broadcast %get3A_34 : vector<1x128xf32> to vector<1024x128xf32>
    %add3A_36 = arith.addf %add3A_31, %add3A_35 : vector<1024x128xf32>
    %max3A_37 = arith.constant 0.000000e+00 : f32
    %max3A_38 = vector.broadcast %max3A_37 : f32 to vector<1024x128xf32>
    %max3A_39 = arith.maximumf %add3A_36, %max3A_38 : vector<1024x128xf32>
    %get3A_40 = arith.constant 0 : index
    %get3A_41 = arith.constant 0 : index
    %get3A_42 = arith.constant 0 : index
    %get3A_43 = vector.load %arg4[%get3A_40, %get3A_41, %get3A_42] : memref<1x1x1024xi32, #tpu.memory_space<vmem>>, vector<1x1x1024xi32>
    %get3A_44 = vector.shape_cast %get3A_43 : vector<1x1x1024xi32> to vector<1024xi32>
    %broadcast_in_dim3A_45 = vector.shape_cast %get3A_44 : vector<1024xi32> to vector<1x1024xi32>
    %iota3A = tpu.iota {dimensions = array<i32: 0>} : vector<64x1024xi32>
    %eq3A_46 = vector.broadcast %broadcast_in_dim3A_45 : vector<1x1024xi32> to vector<64x1024xi32>
    %eq3A_47 = arith.cmpi eq, %eq3A_46, %iota3A : vector<64x1024xi32>
    %convert_element_type3A_48 = arith.extui %eq3A_47 : vector<64x1024xi1> to vector<64x1024xi32>
    %convert_element_type3A_49 = arith.sitofp %convert_element_type3A_48 : vector<64x1024xi32> to vector<64x1024xf32>
    %get3A_50 = arith.constant 0 : index
    %get3A_51 = arith.constant 0 : index
    %get3A_52 = vector.load %arg9[%get3A_50, %get3A_51] : memref<64x128xf32, #tpu.memory_space<vmem>>, vector<64x128xf32>
    %dot_general3A_53 = arith.constant dense<0.000000e+00> : vector<64x128xf32>
    %dot_general3A_54 = tpu.matmul %convert_element_type3A_49, %max3A_39, %dot_general3A_53 {dimension_numbers = #tpu.dot_dimension_numbers<[1], [0], [0], [1], [0, 0, 1, 1], [], []>, precision = #tpu.contract_precision<fp32>, transpose_lhs_hint = false} : vector<64x1024xf32>, vector<1024x128xf32>, vector<64x128xf32> -> vector<64x128xf32>
    %add3A_55 = arith.addf %get3A_52, %dot_general3A_54 : vector<64x128xf32>
    %swap3A = arith.constant 0 : index
    %swap3A_56 = arith.constant 0 : index
    %swap3A_57 = vector.load %arg9[%swap3A, %swap3A_56] : memref<64x128xf32, #tpu.memory_space<vmem>>, vector<64x128xf32>
    tpu.vector_store %arg9[%swap3A, %swap3A_56], %add3A_55 {strides = array<i32>} : memref<64x128xf32, #tpu.memory_space<vmem>>, vector<64x128xf32>,
    %get3A_58 = arith.constant 0 : index
    %get3A_59 = arith.constant 0 : index
    %get3A_60 = vector.load %arg10[%get3A_58, %get3A_59] : memref<64x1xf32, #tpu.memory_space<vmem>>, vector<64x1xf32>
    %reduce_sum3A_61 = arith.constant dense<0.000000e+00> : vector<64xf32>
    %reduce_sum3A_62 = vector.multi_reduction <add>, %convert_element_type3A_49, %reduce_sum3A_61 [1] : vector<64x1024xf32> to vector<64xf32>
    %broadcast_in_dim3A_63 = vector.shape_cast %reduce_sum3A_62 : vector<64xf32> to vector<64x1xf32>
    %add3A_64 = arith.addf %get3A_60, %broadcast_in_dim3A_63 : vector<64x1xf32>
    %swap3A_65 = arith.constant 0 : index
    %swap3A_66 = arith.constant 0 : index
    %swap3A_67 = vector.load %arg10[%swap3A_65, %swap3A_66] : memref<64x1xf32, #tpu.memory_space<vmem>>, vector<64x1xf32>
    tpu.vector_store %arg10[%swap3A_65, %swap3A_66], %add3A_64 {strides = array<i32>} : memref<64x1xf32, #tpu.memory_space<vmem>>, vector<64x1xf32>,
    %eq3A_68 = arith.constant 9 : i32
    %eq3A_69 = arith.cmpi eq, %arg0, %eq3A_68 : i32
    %convert_element_type3A_70 = arith.extui %eq3A_69 : i1 to i32
    %cond3A_71 = arith.constant 0 : i32
    %cond3A_72 = arith.cmpi ne, %convert_element_type3A_70, %cond3A_71 : i32
    scf.if %cond3A_72 {
      %get3A_73 = arith.constant 0 : index
      %get3A_74 = arith.constant 0 : index
      %get3A_75 = vector.load %arg9[%get3A_73, %get3A_74] : memref<64x128xf32, #tpu.memory_space<vmem>>, vector<64x128xf32>
      %get3A_76 = arith.constant 0 : index
      %get3A_77 = arith.constant 0 : index
      %get3A_78 = vector.load %arg10[%get3A_76, %get3A_77] : memref<64x1xf32, #tpu.memory_space<vmem>>, vector<64x1xf32>
      %max3A_79 = arith.constant 1.000000e+00 : f32
      %max3A_80 = vector.broadcast %max3A_79 : f32 to vector<64x1xf32>
      %max3A_81 = arith.maximumf %get3A_78, %max3A_80 : vector<64x1xf32>
      %div3A_82 = vector.broadcast %max3A_81 : vector<64x1xf32> to vector<64x128xf32>
      %div3A_83 = arith.divf %get3A_75, %div3A_82 : vector<64x128xf32>
      %swap3A_84 = arith.constant 0 : index
      %swap3A_85 = arith.constant 0 : index
      %swap3A_86 = vector.load %arg8[%swap3A_84, %swap3A_85] : memref<64x128xf32, #tpu.memory_space<vmem>>, vector<64x128xf32>
      tpu.vector_store %arg8[%swap3A_84, %swap3A_85], %div3A_83 {strides = array<i32>} : memref<64x128xf32, #tpu.memory_space<vmem>>, vector<64x128xf32>,
    } else {
    }
    return
  }
  func.func @transform_0(%arg0: i32) -> (i32, i32, i32) {
    %c0_i32 = arith.constant 0 : i32
    %c0_i32_0 = arith.constant 0 : i32
    %c0_i32_1 = arith.constant 0 : i32
    return %c0_i32, %arg0, %c0_i32_0 : i32, i32, i32
  }
  func.func @transform_1(%arg0: i32) -> (i32, i32, i32) {
    %c0_i32 = arith.constant 0 : i32
    %c0_i32_0 = arith.constant 0 : i32
    %c0_i32_1 = arith.constant 0 : i32
    return %c0_i32, %c0_i32_0, %arg0 : i32, i32, i32
  }
  func.func @transform_2(%arg0: i32) -> (i32, i32) {
    %c0_i32 = arith.constant 0 : i32
    %c0_i32_0 = arith.constant 0 : i32
    return %arg0, %c0_i32 : i32, i32
  }
  func.func @transform_3(%arg0: i32) -> (i32, i32, i32) {
    %c0_i32 = arith.constant 0 : i32
    %c0_i32_0 = arith.constant 0 : i32
    %c0_i32_1 = arith.constant 0 : i32
    return %arg0, %c0_i32, %c0_i32_0 : i32, i32, i32
  }
  func.func @transform_4(%arg0: i32) -> (i32, i32) {
    %c0_i32 = arith.constant 0 : i32
    %c0_i32_0 = arith.constant 0 : i32
    %c0_i32_1 = arith.constant 0 : i32
    return %c0_i32, %c0_i32_0 : i32, i32
  }
  func.func @transform_5(%arg0: i32) -> (i32, i32) {
    %c0_i32 = arith.constant 0 : i32
    %c0_i32_0 = arith.constant 0 : i32
    %c0_i32_1 = arith.constant 0 : i32
    return %c0_i32, %c0_i32_0 : i32, i32
  }
  func.func @transform_6(%arg0: i32) -> (i32, i32) {
    %c0_i32 = arith.constant 0 : i32
    %c0_i32_0 = arith.constant 0 : i32
    %c0_i32_1 = arith.constant 0 : i32
    return %c0_i32, %c0_i32_0 : i32, i32
  }
  func.func @transform_7(%arg0: i32) -> (i32, i32) {
    %c0_i32 = arith.constant 0 : i32
    %c0_i32_0 = arith.constant 0 : i32
    %c0_i32_1 = arith.constant 0 : i32
    return %c0_i32, %c0_i32_0 : i32, i32
  }
}

</mosaic_0001>

<sc_bundles>
// kernel: kernel.11.cloned.1.call-start
scs
__scs_entry_jumppad:
0x0: {  	(pc) =	sbr.rel $0x88, $3  }
0x1: {  	(tag) =	ssettag $0x0;
	lr =	simm.s32 $0x1  }
0x2: {  	[smem:$0x3F91] =	sst lr;
	_ =	strace $0xD0000000  }
0x3: {  	_ = 	snop  }
0x4: {  	_ = 	snop  }
0x5: {  	_ = 	snop  }
0x6: {  	_ = 	snop  }
0x7: {  	_ = 	snop  }
__scs_overlays_trampoline_lowered:
0x8: {  	[smem:$0x3FA0] =	sst s0  }
0x9: {  	[smem:$0x3FA1] =	sst s1  }
0xa: {  	[smem:$0x3FA2] =	sst s2  }
0xb: {  	[smem:$0x3FA3] =	sst s3  }
0xc: {  	[smem:$0x3FA4] =	sst s4  }
0xd: {  	[smem:$0x3FA5] =	sst s5  }
0xe: {  	[smem:$0x3FA6] =	sst s6  }
0xf: {  	[smem:$0x3FA7] =	sst s7  }
0x10: {  	[smem:$0x3FA8] =	sst s8  }
0x11: {  	[smem:$0x3FA9] =	sst s9;
	s0 =	simm.s32 @!p0 $0x0  }
0x12: {  	s1 =	sld [smem:$0x3F8F];
	s0 =	simm.s32 @p0 $0x1  }
0x13: {  	[smem:$0x3FAA] =	sst s0;
	s0 =	simm.s32 @!p1 $0x0  }
0x14: {  	s2 =	sld [smem:$0x3F8E];
	s0 =	simm.s32 @p1 $0x1  }
0x15: {  	[smem:$0x3FAB] =	sst s0;
	s0 =	simm.s32 @!p2 $0x0  }
0x16: {  	s3 =	sld [smem:$0x3FDB];
	s0 =	simm.s32 @p2 $0x1  }
0x17: {  	s4 =	simm.s32 $0x1BF5;
	[smem:$0x3FAD] =	sst s0  }
0x18: {  	s0 =	sld [smem:$0x3F90];
	_ =	swait.ge [sflag:s4], $0x0  }
0x19: {  	s7 =	sld [smem:$0x3F91]  }
0x1a: {  	s8 =	sadd.s32 $0xFFFFE003, lr  }
0x1b: {  	s9 =	sadd.s32 $0xFFFFFEF7, lr;
	s5 =	simm.s32 $0xFFFFFFFF;
	p2 =	slt.u32 s8, $0xFFFFF086  }
0x1c: {  	p1 =	slt.u32 s9, $0xF7A;
	s5 =	simm.s32 @!p2 $0x0  }
0x1d: {  	s5 =	simm.s32 @p1 $0x1;
	p0 =	seq.s32 s7, s2  }
0x1e: {  	s7 =	smul.u32 @!p0 $0xF7A, s2;
	p2 =	seq.s32 @!p0 s5, $0x0  }
0x1f: {  	s9 =	smul.u32 $0xF7A, s1;
	s8 =	simm.s32 @!p0 $0x1BF5;
	p2 =	por !p2, p0  }
0x20: {  	[sflag:s8] =	ssyncset.s32 @!p0 $0xFFFFF086;
	s6 =	sadd.s32 @!p0 s3, s7;
	s7 =	simm.s32 @!p0 $0x108  }
0x21: {  	s3 =	sadd.s32 s3, s9;
	s6 =	sadd.s32 @!p0 $0x88, s6;
	s7 =	simm.s32 @p2 $0x1082  }
0x22: {  	[simem:s7], [sflag:s8] =	dma.local @!p0 [hbm:s6], $0xF7A  }
0x23: {  	s9 =	sor.u32 $0xD0000000, s2;
	s6 =	simm.s32 $0x108;
	_ =	swait.ge @!p0 [sflag:s8], $0x0  }
0x24: {  	s3 =	sadd.s32 $0x88, s3;
	s6 =	simm.s32 @!p1 $0x1082;
	[sflag:s4] =	ssyncset.s32 $0xFFFFF086  }
0x25: {  	[simem:s6], [sflag:s4] =	dma.local [hbm:s3], $0xF7A  }
0x26: {  	[smem:$0x3F91] =	sst s1;
	(tag) =	ssettag s2;
	_ =	strace s9  }
0x27: {  	s1 =	sld [smem:$0x3FA1]  }
0x28: {  	s2 =	sld [smem:$0x3FA2]  }
0x29: {  	s4 =	sld [smem:$0x3FA4]  }
0x2a: {  	p0 =	seq.s32 s5, $0x0;
	s5 =	sld [smem:$0x3FA5]  }
0x2b: {  	s6 =	sld [smem:$0x3FA6]  }
0x2c: {  	s7 =	sld [smem:$0x3FA7]  }
0x2d: {  	s3 =	simm.s32 $0x108;
	s8 =	sld [smem:$0x3FA8]  }
0x2e: {  	s3 =	simm.s32 @!p0 $0x1082;
	s9 =	sld [smem:$0x3FA9]  }
0x2f: {  	lr =	sadd.s32 s0, s3;
	s0 =	sld [smem:$0x3FA0]  }
0x30: {  	s3 =	sld [smem:$0x3FA3]  }
0x31: {  	[smem:$0x3FAC] =	sst s10  }
0x32: {  	s10 =	sld [smem:$0x3FAA];
	_ =	sdelay $0x3  }
0x33: {  	p0 =	seq.s32 s10, $0x1;
	s10 =	sld [smem:$0x3FAC];
	_ =	sdelay $0x3  }
0x34: {  	[smem:$0x3FAC] =	sst s10  }
0x35: {  	s10 =	sld [smem:$0x3FAB];
	_ =	sdelay $0x3  }
0x36: {  	p1 =	seq.s32 s10, $0x1;
	s10 =	sld [smem:$0x3FAC];
	_ =	sdelay $0x3  }
0x37: {  	[smem:$0x3FAC] =	sst s10  }
0x38: {  	s10 =	sld [smem:$0x3FAD]  }
0x39: {  	_ = 	snop;
	(pc) =	sbr.ind lr, $3  }
0x3a: {  	_ = 	snop  }
0x3b: {  	_ = 	snop  }
0x3c: {  	p2 =	seq.s32 s10, $0x1;
	s10 =	sld [smem:$0x3FAC]  }
0x3d: {  	_ =	shalt  }
0x3e: {  	_ =	shalt  }
0x3f: {  	_ =	shalt  }
0x40: {  	_ =	shalt  }
0x41: {  	_ =	shalt  }
0x42: {  	_ =	shalt  }
0x43: {  	_ =	shalt  }
0x44: {  	_ =	shalt  }
0x45: {  	_ =	shalt  }
0x46: {  	_ =	shalt  }
0x47: {  	_ =	shalt  }
0x48: {  	_ =	shalt  }
0x49: {  	_ =	shalt  }
0x4a: {  	_ =	shalt  }
0x4b: {  	_ =	shalt  }
0x4c: {  	_ =	shalt  }
0x4d: {  	_ =	shalt  }
0x4e: {  	_ =	shalt  }
0x4f: {  	_ =	shalt  }
0x50: {  	_ =	shalt  }
0x51: {  	_ =	shalt  }
0x52: {  	_ =	shalt  }
0x53: {  	_ =	shalt  }
0x54: {  	_ =	shalt  }
0x55: {  	_ =	shalt  }
0x56: {  	_ =	shalt  }
0x57: {  	_ =	shalt  }
0x58: {  	_ =	shalt  }
0x59: {  	_ =	shalt  }
0x5a: {  	_ =	shalt  }
0x5b: {  	_ =	shalt  }
0x5c: {  	_ =	shalt  }
0x5d: {  	_ =	shalt  }
0x5e: {  	_ =	shalt  }
0x5f: {  	_ =	shalt  }
0x60: {  	_ =	shalt  }
0x61: {  	_ =	shalt  }
0x62: {  	_ =	shalt  }
0x63: {  	_ =	shalt  }
0x64: {  	_ =	shalt  }
0x65: {  	_ =	shalt  }
0x66: {  	_ =	shalt  }
0x67: {  	_ =	shalt  }
0x68: {  	_ =	shalt  }
0x69: {  	_ =	shalt  }
0x6a: {  	_ =	shalt  }
0x6b: {  	_ =	shalt  }
0x6c: {  	_ =	shalt  }
0x6d: {  	_ =	shalt  }
0x6e: {  	_ =	shalt  }
0x6f: {  	_ =	shalt  }
0x70: {  	_ =	shalt  }
0x71: {  	_ =	shalt  }
0x72: {  	_ =	shalt  }
0x73: {  	_ =	shalt  }
0x74: {  	_ =	shalt  }
0x75: {  	_ =	shalt  }
0x76: {  	_ =	shalt  }
0x77: {  	_ =	shalt  }
0x78: {  	_ =	shalt  }
0x79: {  	_ =	shalt  }
0x7a: {  	_ =	shalt  }
0x7b: {  	_ =	shalt  }
0x7c: {  	_ =	shalt  }
0x7d: {  	_ =	shalt  }
0x7e: {  	_ =	shalt  }
0x7f: {  	_ =	shalt  }
0x80: {  	_ =	shalt  }
0x81: {  	_ =	shalt  }
0x82: {  	_ =	shalt  }
0x83: {  	_ =	shalt  }
0x84: {  	_ =	shalt  }
0x85: {  	_ =	shalt  }
0x86: {  	_ =	shalt  }
0x87: {  	_ =	shalt  }
.Lfunc_end0:
.L_simem_size_0:
called_computation.1_lowered:
.L_overlay_start_0:
0x88: {  	s2 =	sld [smem:$0x3FD9]  }
0x89: {  	s3 =	sld [smem:$0x3FFE];
	_ =	sdelay $0x1  }
0x8a: {  	s1 =	srdreg.scid  }
0x8b: {  	s0 =	sand.u32 $0x1, s1  }
0x8c: {  	s16 =	sshll.u32 s0, $0xA;
	s2 =	sadd.s32 s3, s2  }
0x8d: {  	s2 =	sadd.s32 s2, s16  }
0x8e: {  	[smem:$0x3FB8] =	sst s2  }
0x8f: {  	_ = 	snop  }
0x90: {  	(tm) =	ssettm $0x1  }
0x91: {  	s17 =	sld [smem:$0x3FFB];
	_ =	sdelay $0x3  }
0x92: {  	_ =	strace s17  }
0x93: {  	s2 =	sld [smem:$0x3FFC];
	_ =	sdelay $0x3  }
0x94: {  	_ =	strace s2  }
0x95: {  	s2 =	sld [smem:$0x3FFD];
	_ =	sdelay $0x3  }
0x96: {  	_ =	strace s2  }
0x97: {  	_ =	strace $0x8FFFFFFF  }
0x98: {  	s18 =	sld [smem:$0x3FDB];
	_ =	sdelay $0x1  }
0x99: {  	s19 =	simm.s32 $_scs_section_size  }
0x9a: {  	s4 =	simm.s32 $_size__tile_overlayer_lowered;
	s5 =	simm.s32 $_tile_overlayer_lowered  }
0x9b: {  	s22 =	simm.s32 $0x1BFF;
	s21 =	sshll.u32 s5, $0x1;
	s2 =	sadd.s32 s19, s18  }
0x9c: {  	s6 =	simm.s32 $0x0;
	s20 =	sshll.u32 s4, $0x1;
	s4 =	sadd.s32 s21, s2  }
0x9d: {  	[timem:s6], [sflag:s22] =	dma.local [hbm:s4], s20  }
0x9e: {  	_ =	swait.ge [sflag:s22], s20  }
0x9f: {  	s3 =	ssub.s32 $0x0, s20;
	[sflag:s22] =	ssyncset.done $0x0  }
0xa0: {  	[sflag:s22] =	ssyncadd.s32 s3;
	_ =	sdelay $0x1  }
0xa1: {  	s23 =	simm.s32 $0x1B8B  }
0xa2: {  	_ =	swait.ge [sflag:s23], $0x1  }
0xa3: {  	[sflag:s23] =	ssyncset.done $0x0  }
0xa4: {  	s25 =	simm.s32 $0x1B8E;
	s24 =	sld [smem:$0x3FFE];
	[sflag:s23] =	ssyncadd.s32 $0xFFFFFFFF  }
0xa5: {  	s26 =	simm.s32 $execute0_lowered;
	[smem:$0x3FD2] =	sst s25  }
0xa6: {  	s4 =	sshll.u32 s26, $0x1;
	_ =	strace $0x80000049;
	[dreg:$0x1] =	wrdreg $0xFFFFFFFF  }
0xa7: {  	s28 =	simm.s32 $_size_execute0_lowered;
	s2 =	sadd.s32 s2, s4;
	[dreg:$0x0] =	wrdreg $0x0  }
0xa8: {  	s4 =	sshll.u32 s28, $0x1;
	[dreg:$0x2] =	wrdreg s2  }
0xa9: {  	[dreg:$0x3] =	wrdreg s4  }
0xaa: {  	[dreg:$0x4] =	wrdreg $0xC0  }
0xab: {  	_ =	task [dreg:s6], $0x5FFFF  }
0xac: {  	[dreg:$0x1] =	wrdreg $0xFFFFFFFF  }
0xad: {  	[dreg:$0x0] =	wrdreg $0x60  }
0xae: {  	[dreg:$0x2] =	wrdreg s24  }
0xaf: {  	[dreg:$0x3] =	wrdreg $0x51000  }
0xb0: {  	[dreg:$0x4] =	wrdreg $0x9  }
0xb1: {  	_ =	task.clear_ibuf [dreg:s6], $0x5FFFF;
	_ =	strace $0x90000049  }
0xb2: {  	s29 =	simm.s32 $0x9;
	_ =	strace $0x8000004B  }
0xb3: {  	_ =	swait.ge [sflag:s29], $0x1  }
0xb4: {  	[sflag:s29] =	ssyncadd.s32 $0xFFFFFFFF  }
0xb5: {  	_ =	strace $0x9000004B  }
0xb6: {  	_ =	sfence  }
0xb7: {  	s30 =	sld [smem:$0x0];
	_ =	sdelay $0x2  }
0xb8: {  	s31 =	sshll.u32 s1, $0xD;
	s1 =	sshrl.u32 s1, $0x2  }
0xb9: {  	s3 =	sand.u32 $0x4000, s31;
	s1 =	sadd.s32 s1, s30  }
0xba: {  	s0 =	sor.u32 s3, s0;
	s1 =	sshll.u32 s1, $0x11  }
0xbb: {  	s0 =	sor.u32 s1, s0  }
0xbc: {  	s0 =	sadd.s32 $0x8F2B, s0  }
0xbd: {  	[sflag:s0] =	ssyncadd.remote.s32 $0x1  }
0xbe: {  	_ =	sfence.sel $0xFFFF  }
0xbf: {  	[dreg:$0x0] =	wrdreg $0xFFFFFFFF;
	(pc) =	sbr.abs _section_cstart, $3  }
0xc0: {  	[dreg:$0x1] =	wrdreg $0xFFFFFFFF  }
0xc1: {  	_ =	task.clear_ibuf [dreg:s6], $0x2FFFF;
	_ =	strace $0x9FFFFFFF  }
0xc2: {  	(tm) =	ssettm $0x7FFFFFFF  }
0xc3: {  	_ =	shalt  }
tec
execute0_lowered:
.L_overlay_start_1:
0x0: {  	(tag) =	ssettag $0x1  }
0x1: {  	s9 =	rddreg [dreg:$0x0]  }
0x2: {  	s1 =	rddreg [dreg:$0x1]  }
0x3: {  	s0 =	rddreg [dreg:$0x2];
	s3 =	simm.s32 $0x0  }
0x4: {  	s2 =	srdreg.scid;
	s14 =	simm.s32 $0x2;
	s15 =	simm.s32 $0x80  }
0x5: {  	s16 =	simm.s32 $0x100;
	s17 =	simm.s32 $0x50;
	s18 =	simm.s32 $0x2900  }
0x6: {  	s19 =	simm.s32 $0x1;
	s20 =	simm.s32 $0x0;
	[smem:$0x7FF] =	sst s3  }
0x7: {  	s10 =	sand.u32 $0x1, s2;
	s5 =	sadd.s32 $0xA2B600, s9;
	s6 =	sadd.s32 $0x4EF800, s9  }
0x8: {  	s2 =	stileid.u32;
	s7 =	sadd.s32 $0x4E5A00, s9;
	s8 =	smul.u32 $0x140000, s10  }
0x9: {  	s4 =	sadd.s32 $0x6200, s9;
	_ =	strace $0x8000004A;
	s11 =	smul.u32 $0x14000, s2  }
0xa: {  	s12 =	ssub.s32 $0x2, s10;
	s13 =	smul.u32 $0x50000, s2;
	s10 =	sshll.u32 s10, $0x4  }
0xb: {  	s31 =	sshll.u32 s2, $0x6;
	s29 =	sshrl.u32 s12, $0x1;
	s10 =	sor.u32 s2, s10  }
0xc: {  	s8 =	sadd.s32 s11, s8;
	s12 =	ssub.s32 s12, s29;
	s30 =	sshrl.u32 s13, $0x2  }
0xd: {  	s10 =	smul.u32 $0x2710, s10;
	s11 =	sshrl.u32 s8, $0x3;
	s8 =	sadd.s32 $0x3A00, s9  }
0xe: {  	s13 =	sadd.s32 s30, s1;
	s12 =	smax.u32 s12, $0x1;
	s11 =	sadd.s32 s11, s9  }
0xf: {  	s9 =	sor.u32 $0x1C02, s31;
	s13 =	sshrl.u32 s13, $0x3;
	s11 =	sadd.s32 $0x60200, s11  }
.LBB2_1:
0x10: {  	[spmem:s13], [sflag:s9] =	dma.local [hbm:s8], $0x2800  }
0x11: {  	_ =	swait.ge [sflag:s14], $0x2800  }
0x12: {  	[sflag:s14] =	ssyncset.done $0x0  }
0x13: {  	[sflag:s14] =	ssyncadd.s32 $0xFFFFD800  }
0x14: {  	s21 =	simm.s32 $0x0;
	[bflag:$0x0] =	sbarrier.arrive $0xFFFF  }
.LBB2_2:
0x15: {  	s22 =	smul.u32 $0x50, s21;
	_ =	sdelay $0x1  }
0x16: {  	s22 =	sadd.s32 s10, s22  }
0x17: {  	s23 =	sshrl.u32 s22, $0x3  }
0x18: {  	s24 =	sadd.s32 s6, s23  }
0x19: {  	[tilespmem:s3], [sflag:$0x2] =	stream.linear.gather [hbm4b:s24+s3], $0x50, $0x38;
	[tilespmem:$0x19100] =	vst v63  }
0x1a: {  	_ =	swait.ge [sflag:s14], $0x50  }
0x1b: {  	[sflag:s14] =	ssyncset.done $0x0  }
0x1c: {  	s23 =	sadd.s32 s7, s23;
	[sflag:s14] =	ssyncadd.s32 $0xFFFFFFB0  }
0x1d: {  	[tilespmem:s15], [sflag:$0x2] =	stream.linear.gather [hbm4b:s23+s3], $0x50, $0x38;
	[tilespmem:$0x19100] =	vst v63  }
0x1e: {  	_ =	swait.ge [sflag:s14], $0x50  }
0x1f: {  	s22 =	sshll.u32 s22, $0x4;
	[sflag:s14] =	ssyncset.done $0x0  }
0x20: {  	s22 =	sadd.s32 s5, s22;
	[sflag:s14] =	ssyncadd.s32 $0xFFFFFFB0  }
0x21: {  	[tilespmem:s16], [sflag:$0x2] =	stream.linear.gather [hbm4b:s22+s3], $0x2800, $0x38;
	[tilespmem:$0x19100] =	vst v63  }
0x22: {  	_ =	swait.ge [sflag:s14], $0x2800  }
0x23: {  	[sflag:s14] =	ssyncset.done $0x0  }
0x24: {  	[sflag:s14] =	ssyncadd.s32 $0xFFFFD800  }
0x25: {  	[tilespmem:s18], [sflag:$0x1] =	stream.indirect.gather [hbm4b:s4+s17], $0x80, s3, s17, $0xb8;
	[tilespmem:$0x19100] =	vst v63  }
0x26: {  	_ =	swait.ge [sflag:s19], $0x2800  }
0x27: {  	[sflag:s19] =	ssyncset.done $0x0  }
0x28: {  	s22 =	simm.s32 $0x120;
	[sflag:s19] =	ssyncadd.s32 $0xFFFFD800  }
0x29: {  	s23 =	simm.s32 $0x2920;
	v0 =	vld [tilespmem:s22+$0xFFFFFFE0]  }
0x2a: {  	v1 =	vld [tilespmem:s23+$0xFFFFFFE0];
	_ =	sdelay $0x4  }
0x2b: {  	v0 =	vadd.f32 v1, v0;
	_ =	sdelay $0x1  }
0x2c: {  	v0 =	vmax.f32 v0, $0.0e+00  }
0x2d: {  	[tilespmem:s22+$0xFFFFFFE0] =	vst v0;
	v0 =	vld [tilespmem:s22+$0xFFFFFFF0]  }
0x2e: {  	v1 =	vld [tilespmem:s23+$0xFFFFFFF0];
	_ =	sdelay $0x4  }
0x2f: {  	v0 =	vadd.f32 v1, v0;
	_ =	sdelay $0x1  }
0x30: {  	v0 =	vmax.f32 v0, $0.0e+00  }
0x31: {  	[tilespmem:s22+$0xFFFFFFF0] =	vst v0;
	v0 =	vld [tilespmem:s22+$0x0]  }
0x32: {  	v1 =	vld [tilespmem:s23+$0x0];
	_ =	sdelay $0x4  }
0x33: {  	v0 =	vadd.f32 v1, v0;
	_ =	sdelay $0x1  }
0x34: {  	v0 =	vmax.f32 v0, $0.0e+00  }
0x35: {  	[tilespmem:s22+$0x0] =	vst v0;
	v0 =	vld [tilespmem:s22+$0x10]  }
0x36: {  	v1 =	vld [tilespmem:s23+$0x10];
	_ =	sdelay $0x4  }
0x37: {  	v0 =	vadd.f32 v1, v0;
	_ =	sdelay $0x1  }
0x38: {  	s25 =	simm.s32 $0x160;
	s24 =	simm.s32 $0x0;
	v0 =	vmax.f32 v0, $0.0e+00  }
.LBB2_3:
0x39: {  	v1 =	vld [tilespmem:s25+$0xFFFFFFE0];
	[tilespmem:s22+$0x10] =	vst v0;
	s23 =	sadd.s32 $0x40, s23;
	s22 =	smov.u32 s25  }
0x3a: {  	s24 =	sadd.s32 $0x4, s24;
	v0 =	vld [tilespmem:s23+$0xFFFFFFE0]  }
0x3b: {  	p0 =	slt.u32 s24, $0x27C;
	_ =	sdelay $0x3  }
0x3c: {  	v0 =	vadd.f32 v0, v1;
	_ =	sdelay $0x1  }
0x3d: {  	v0 =	vmax.f32 v0, $0.0e+00  }
0x3e: {  	[tilespmem:s25+$0xFFFFFFE0] =	vst v0;
	v0 =	vld [tilespmem:s25+$0xFFFFFFF0]  }
0x3f: {  	v1 =	vld [tilespmem:s23+$0xFFFFFFF0];
	_ =	sdelay $0x4  }
0x40: {  	v0 =	vadd.f32 v1, v0;
	_ =	sdelay $0x1  }
0x41: {  	v0 =	vmax.f32 v0, $0.0e+00  }
0x42: {  	[tilespmem:s25+$0xFFFFFFF0] =	vst v0;
	v0 =	vld [tilespmem:s25+$0x0]  }
0x43: {  	v1 =	vld [tilespmem:s23+$0x0];
	_ =	sdelay $0x4  }
0x44: {  	v0 =	vadd.f32 v1, v0;
	_ =	sdelay $0x1  }
0x45: {  	v0 =	vmax.f32 v0, $0.0e+00  }
0x46: {  	[tilespmem:s25+$0x0] =	vst v0;
	v0 =	vld [tilespmem:s25+$0x10]  }
0x47: {  	v1 =	vld [tilespmem:s23+$0x10];
	_ =	sdelay $0x2  }
.Ltmp0:
0x48: {  	(pc) =	sbr.rel @p0 .LBB2_3-.Ltmp0, $3  }
0x49: {  	_ = 	snop  }
0x4a: {  	v0 =	vadd.f32 v1, v0;
	_ =	sdelay $0x1  }
0x4b: {  	s25 =	sadd.s32 $0x40, s25;
	v0 =	vmax.f32 v0, $0.0e+00  }
0x4c: {  	s21 =	sadd.s32 $0x1, s21  }
0x4d: {  	p0 =	sne.s32 s21, $0x7D  }
.Ltmp1:
0x4e: {  	[tilespmem:s22+$0x10] =	vst v0;
	(pc) =	sbr.rel @p0 .LBB2_2-.Ltmp1, $4  }
0x4f: {  	[spmem:s1] =	stream.indirect.scatter.add.f32 [tilespmem:s16], [sflag:$0x2], $0x80, s15, s17, $0xb8;
	[tilespmem:$0x19100] =	vst v63  }
0x50: {  	_ =	swait.ge [sflag:s14], $0x2800  }
0x51: {  	[sflag:s14] =	ssyncset.done $0x0  }
0x52: {  	[sflag:s14] =	ssyncadd.s32 $0xFFFFD800  }
0x53: {  	s20 =	sadd.s32 $0x1, s20  }
0x54: {  	p0 =	sne.s32 s20, s12  }
.Ltmp2:
0x55: {  	[bflag:$0x0] =	sbarrier.arrive $0xFFFF;
	(pc) =	sbr.rel @p0 .LBB2_1-.Ltmp2, $4  }
0x56: {  	[hbm:s11], [sflag:s9] =	dma.local [spmem:s13], $0x2800  }
0x57: {  	_ =	swait.ge [sflag:s14], $0x2800  }
0x58: {  	[sflag:s14] =	ssyncset.done $0x0  }
0x59: {  	[sflag:s14] =	ssyncadd.s32 $0xFFFFD800  }
0x5a: {  	_ =	sfence.sel $0x180000  }
0x5b: {  	[bflag:$0x0] =	sbarrier.arrive $0xFFFF  }
0x5c: {  	p0 =	sne.s32 s2, $0x0;
	_ =	strace $0x9000004A  }
0x5d: {  	s0 =	sadd.s32 @!p0 $0x100000, s0;
	[bflag:$0x2] =	sbarrier.arrive $0xFFFF  }
0x5e: {  	[sflag:s0] =	ssyncadd.tile.s32 @!p0 $0x1;
	_ =	shalt  }
.Lfunc_end2:
_tile_overlayer_lowered:
.L_overlay_start_2:
0x5f: {  	(tag) =	ssettag $0x2  }
0x60: {  	s0 =	rddreg [dreg:$0x0];
	s2 =	stileid.u32  }
0x61: {  	s1 =	rddreg [dreg:$0x1];
	p0 =	sne.s32 s2, $0x0  }
0x62: {  	s3 =	rddreg [dreg:$0x2];
	[bflag:$0x3] =	sbarrier.arrive $0xFFFF;
	s2 =	simm.s32 @!p0 $0x1C02  }
0x63: {  	[timem:s3], [sflag:s2] =	dma.local @!p0 [hbm:s0], s1  }
0x64: {  	s0 =	simm.s32 @!p0 $0x2  }
0x65: {  	_ =	swait.ge @!p0 [sflag:s0], s1  }
0x66: {  	s1 =	ssub.s32 @!p0 $0x0, s1;
	[sflag:s0] =	ssyncset.done @!p0 $0x0  }
0x67: {  	[sflag:s0] =	ssyncadd.s32 @!p0 s1  }
0x68: {  	[bflag:$0x3] =	sbarrier.arrive $0xFFFF  }
0x69: {  	_ =	shalt  }

// kernel: kernel.8.cloned.1.call-start
scs
__scs_entry_jumppad:
0x0: {  	(pc) =	sbr.rel $0x88, $3  }
0x1: {  	(tag) =	ssettag $0x0;
	lr =	simm.s32 $0x1  }
0x2: {  	[smem:$0x3F91] =	sst lr;
	_ =	strace $0xD0000000  }
0x3: {  	_ = 	snop  }
0x4: {  	_ = 	snop  }
0x5: {  	_ = 	snop  }
0x6: {  	_ = 	snop  }
0x7: {  	_ = 	snop  }
__scs_overlays_trampoline_lowered:
0x8: {  	[smem:$0x3FA0] =	sst s0  }
0x9: {  	[smem:$0x3FA1] =	sst s1  }
0xa: {  	[smem:$0x3FA2] =	sst s2  }
0xb: {  	[smem:$0x3FA3] =	sst s3  }
0xc: {  	[smem:$0x3FA4] =	sst s4  }
0xd: {  	[smem:$0x3FA5] =	sst s5  }
0xe: {  	[smem:$0x3FA6] =	sst s6  }
0xf: {  	[smem:$0x3FA7] =	sst s7  }
0x10: {  	[smem:$0x3FA8] =	sst s8  }
0x11: {  	[smem:$0x3FA9] =	sst s9;
	s0 =	simm.s32 @!p0 $0x0  }
0x12: {  	s1 =	sld [smem:$0x3F8F];
	s0 =	simm.s32 @p0 $0x1  }
0x13: {  	[smem:$0x3FAA] =	sst s0;
	s0 =	simm.s32 @!p1 $0x0  }
0x14: {  	s2 =	sld [smem:$0x3F8E];
	s0 =	simm.s32 @p1 $0x1  }
0x15: {  	[smem:$0x3FAB] =	sst s0;
	s0 =	simm.s32 @!p2 $0x0  }
0x16: {  	s3 =	sld [smem:$0x3FDB];
	s0 =	simm.s32 @p2 $0x1  }
0x17: {  	s4 =	simm.s32 $0x1BF5;
	[smem:$0x3FAD] =	sst s0  }
0x18: {  	s0 =	sld [smem:$0x3F90];
	_ =	swait.ge [sflag:s4], $0x0  }
0x19: {  	s7 =	sld [smem:$0x3F91]  }
0x1a: {  	s8 =	sadd.s32 $0xFFFFE003, lr  }
0x1b: {  	s9 =	sadd.s32 $0xFFFFFEF7, lr;
	s5 =	simm.s32 $0xFFFFFFFF;
	p2 =	slt.u32 s8, $0xFFFFF086  }
0x1c: {  	p1 =	slt.u32 s9, $0xF7A;
	s5 =	simm.s32 @!p2 $0x0  }
0x1d: {  	s5 =	simm.s32 @p1 $0x1;
	p0 =	seq.s32 s7, s2  }
0x1e: {  	s7 =	smul.u32 @!p0 $0xF7A, s2;
	p2 =	seq.s32 @!p0 s5, $0x0  }
0x1f: {  	s9 =	smul.u32 $0xF7A, s1;
	s8 =	simm.s32 @!p0 $0x1BF5;
	p2 =	por !p2, p0  }
0x20: {  	[sflag:s8] =	ssyncset.s32 @!p0 $0xFFFFF086;
	s6 =	sadd.s32 @!p0 s3, s7;
	s7 =	simm.s32 @!p0 $0x108  }
0x21: {  	s3 =	sadd.s32 s3, s9;
	s6 =	sadd.s32 @!p0 $0x88, s6;
	s7 =	simm.s32 @p2 $0x1082  }
0x22: {  	[simem:s7], [sflag:s8] =	dma.local @!p0 [hbm:s6], $0xF7A  }
0x23: {  	s9 =	sor.u32 $0xD0000000, s2;
	s6 =	simm.s32 $0x108;
	_ =	swait.ge @!p0 [sflag:s8], $0x0  }
0x24: {  	s3 =	sadd.s32 $0x88, s3;
	s6 =	simm.s32 @!p1 $0x1082;
	[sflag:s4] =	ssyncset.s32 $0xFFFFF086  }
0x25: {  	[simem:s6], [sflag:s4] =	dma.local [hbm:s3], $0xF7A  }
0x26: {  	[smem:$0x3F91] =	sst s1;
	(tag) =	ssettag s2;
	_ =	strace s9  }
0x27: {  	s1 =	sld [smem:$0x3FA1]  }
0x28: {  	s2 =	sld [smem:$0x3FA2]  }
0x29: {  	s4 =	sld [smem:$0x3FA4]  }
0x2a: {  	p0 =	seq.s32 s5, $0x0;
	s5 =	sld [smem:$0x3FA5]  }
0x2b: {  	s6 =	sld [smem:$0x3FA6]  }
0x2c: {  	s7 =	sld [smem:$0x3FA7]  }
0x2d: {  	s3 =	simm.s32 $0x108;
	s8 =	sld [smem:$0x3FA8]  }
0x2e: {  	s3 =	simm.s32 @!p0 $0x1082;
	s9 =	sld [smem:$0x3FA9]  }
0x2f: {  	lr =	sadd.s32 s0, s3;
	s0 =	sld [smem:$0x3FA0]  }
0x30: {  	s3 =	sld [smem:$0x3FA3]  }
0x31: {  	[smem:$0x3FAC] =	sst s10  }
0x32: {  	s10 =	sld [smem:$0x3FAA];
	_ =	sdelay $0x3  }
0x33: {  	p0 =	seq.s32 s10, $0x1;
	s10 =	sld [smem:$0x3FAC];
	_ =	sdelay $0x3  }
0x34: {  	[smem:$0x3FAC] =	sst s10  }
0x35: {  	s10 =	sld [smem:$0x3FAB];
	_ =	sdelay $0x3  }
0x36: {  	p1 =	seq.s32 s10, $0x1;
	s10 =	sld [smem:$0x3FAC];
	_ =	sdelay $0x3  }
0x37: {  	[smem:$0x3FAC] =	sst s10  }
0x38: {  	s10 =	sld [smem:$0x3FAD]  }
0x39: {  	_ = 	snop;
	(pc) =	sbr.ind lr, $3  }
0x3a: {  	_ = 	snop  }
0x3b: {  	_ = 	snop  }
0x3c: {  	p2 =	seq.s32 s10, $0x1;
	s10 =	sld [smem:$0x3FAC]  }
0x3d: {  	_ =	shalt  }
0x3e: {  	_ =	shalt  }
0x3f: {  	_ =	shalt  }
0x40: {  	_ =	shalt  }
0x41: {  	_ =	shalt  }
0x42: {  	_ =	shalt  }
0x43: {  	_ =	shalt  }
0x44: {  	_ =	shalt  }
0x45: {  	_ =	shalt  }
0x46: {  	_ =	shalt  }
0x47: {  	_ =	shalt  }
0x48: {  	_ =	shalt  }
0x49: {  	_ =	shalt  }
0x4a: {  	_ =	shalt  }
0x4b: {  	_ =	shalt  }
0x4c: {  	_ =	shalt  }
0x4d: {  	_ =	shalt  }
0x4e: {  	_ =	shalt  }
0x4f: {  	_ =	shalt  }
0x50: {  	_ =	shalt  }
0x51: {  	_ =	shalt  }
0x52: {  	_ =	shalt  }
0x53: {  	_ =	shalt  }
0x54: {  	_ =	shalt  }
0x55: {  	_ =	shalt  }
0x56: {  	_ =	shalt  }
0x57: {  	_ =	shalt  }
0x58: {  	_ =	shalt  }
0x59: {  	_ =	shalt  }
0x5a: {  	_ =	shalt  }
0x5b: {  	_ =	shalt  }
0x5c: {  	_ =	shalt  }
0x5d: {  	_ =	shalt  }
0x5e: {  	_ =	shalt  }
0x5f: {  	_ =	shalt  }
0x60: {  	_ =	shalt  }
0x61: {  	_ =	shalt  }
0x62: {  	_ =	shalt  }
0x63: {  	_ =	shalt  }
0x64: {  	_ =	shalt  }
0x65: {  	_ =	shalt  }
0x66: {  	_ =	shalt  }
0x67: {  	_ =	shalt  }
0x68: {  	_ =	shalt  }
0x69: {  	_ =	shalt  }
0x6a: {  	_ =	shalt  }
0x6b: {  	_ =	shalt  }
0x6c: {  	_ =	shalt  }
0x6d: {  	_ =	shalt  }
0x6e: {  	_ =	shalt  }
0x6f: {  	_ =	shalt  }
0x70: {  	_ =	shalt  }
0x71: {  	_ =	shalt  }
0x72: {  	_ =	shalt  }
0x73: {  	_ =	shalt  }
0x74: {  	_ =	shalt  }
0x75: {  	_ =	shalt  }
0x76: {  	_ =	shalt  }
0x77: {  	_ =	shalt  }
0x78: {  	_ =	shalt  }
0x79: {  	_ =	shalt  }
0x7a: {  	_ =	shalt  }
0x7b: {  	_ =	shalt  }
0x7c: {  	_ =	shalt  }
0x7d: {  	_ =	shalt  }
0x7e: {  	_ =	shalt  }
0x7f: {  	_ =	shalt  }
0x80: {  	_ =	shalt  }
0x81: {  	_ =	shalt  }
0x82: {  	_ =	shalt  }
0x83: {  	_ =	shalt  }
0x84: {  	_ =	shalt  }
0x85: {  	_ =	shalt  }
0x86: {  	_ =	shalt  }
0x87: {  	_ =	shalt  }
.Lfunc_end0:
.L_simem_size_0:
called_computation_lowered:
.L_overlay_start_0:
0x88: {  	s2 =	sld [smem:$0x3FD9]  }
0x89: {  	s3 =	sld [smem:$0x3FFE];
	_ =	sdelay $0x1  }
0x8a: {  	s1 =	srdreg.scid  }
0x8b: {  	s0 =	sand.u32 $0x1, s1  }
0x8c: {  	s16 =	sshll.u32 s0, $0xA;
	s2 =	sadd.s32 s3, s2  }
0x8d: {  	s2 =	sadd.s32 s2, s16  }
0x8e: {  	[smem:$0x3FB8] =	sst s2  }
0x8f: {  	_ = 	snop  }
0x90: {  	(tm) =	ssettm $0x1  }
0x91: {  	s17 =	sld [smem:$0x3FFB];
	_ =	sdelay $0x3  }
0x92: {  	_ =	strace s17  }
0x93: {  	s2 =	sld [smem:$0x3FFC];
	_ =	sdelay $0x3  }
0x94: {  	_ =	strace s2  }
0x95: {  	s2 =	sld [smem:$0x3FFD];
	_ =	sdelay $0x3  }
0x96: {  	_ =	strace s2  }
0x97: {  	_ =	strace $0x8FFFFFFF  }
0x98: {  	s18 =	sld [smem:$0x3FDB];
	_ =	sdelay $0x1  }
0x99: {  	s19 =	simm.s32 $_scs_section_size  }
0x9a: {  	s4 =	simm.s32 $_size__tile_overlayer_lowered;
	s5 =	simm.s32 $_tile_overlayer_lowered  }
0x9b: {  	s22 =	simm.s32 $0x1BFF;
	s21 =	sshll.u32 s5, $0x1;
	s2 =	sadd.s32 s19, s18  }
0x9c: {  	s6 =	simm.s32 $0x0;
	s20 =	sshll.u32 s4, $0x1;
	s4 =	sadd.s32 s21, s2  }
0x9d: {  	[timem:s6], [sflag:s22] =	dma.local [hbm:s4], s20  }
0x9e: {  	_ =	swait.ge [sflag:s22], s20  }
0x9f: {  	s3 =	ssub.s32 $0x0, s20;
	[sflag:s22] =	ssyncset.done $0x0  }
0xa0: {  	[sflag:s22] =	ssyncadd.s32 s3;
	_ =	sdelay $0x1  }
0xa1: {  	s23 =	simm.s32 $0x1B8B  }
0xa2: {  	_ =	swait.ge [sflag:s23], $0x1  }
0xa3: {  	[sflag:s23] =	ssyncset.done $0x0  }
0xa4: {  	s25 =	simm.s32 $0x1B8E;
	s24 =	sld [smem:$0x3FFE];
	[sflag:s23] =	ssyncadd.s32 $0xFFFFFFFF  }
0xa5: {  	s26 =	simm.s32 $execute0_lowered;
	[smem:$0x3FD2] =	sst s25  }
0xa6: {  	s4 =	sshll.u32 s26, $0x1;
	_ =	strace $0x80000046;
	[dreg:$0x1] =	wrdreg $0xFFFFFFFF  }
0xa7: {  	s28 =	simm.s32 $_size_execute0_lowered;
	s2 =	sadd.s32 s2, s4;
	[dreg:$0x0] =	wrdreg $0x0  }
0xa8: {  	s4 =	sshll.u32 s28, $0x1;
	[dreg:$0x2] =	wrdreg s2  }
0xa9: {  	[dreg:$0x3] =	wrdreg s4  }
0xaa: {  	[dreg:$0x4] =	wrdreg $0xC0  }
0xab: {  	_ =	task [dreg:s6], $0x5FFFF  }
0xac: {  	[dreg:$0x1] =	wrdreg $0xFFFFFFFF  }
0xad: {  	[dreg:$0x0] =	wrdreg $0x60  }
0xae: {  	[dreg:$0x2] =	wrdreg s24  }
0xaf: {  	[dreg:$0x3] =	wrdreg $0x51000  }
0xb0: {  	[dreg:$0x4] =	wrdreg $0x9  }
0xb1: {  	_ =	task.clear_ibuf [dreg:s6], $0x5FFFF;
	_ =	strace $0x90000046  }
0xb2: {  	s29 =	simm.s32 $0x9;
	_ =	strace $0x80000048  }
0xb3: {  	_ =	swait.ge [sflag:s29], $0x1  }
0xb4: {  	[sflag:s29] =	ssyncadd.s32 $0xFFFFFFFF  }
0xb5: {  	_ =	strace $0x90000048  }
0xb6: {  	_ =	sfence  }
0xb7: {  	s30 =	sld [smem:$0x0];
	_ =	sdelay $0x2  }
0xb8: {  	s31 =	sshll.u32 s1, $0xD;
	s1 =	sshrl.u32 s1, $0x2  }
0xb9: {  	s3 =	sand.u32 $0x4000, s31;
	s1 =	sadd.s32 s1, s30  }
0xba: {  	s0 =	sor.u32 s3, s0;
	s1 =	sshll.u32 s1, $0x11  }
0xbb: {  	s0 =	sor.u32 s1, s0  }
0xbc: {  	s0 =	sadd.s32 $0x8F2B, s0  }
0xbd: {  	[sflag:s0] =	ssyncadd.remote.s32 $0x1  }
0xbe: {  	_ =	sfence.sel $0xFFFF  }
0xbf: {  	[dreg:$0x0] =	wrdreg $0xFFFFFFFF;
	(pc) =	sbr.abs _section_cstart, $3  }
0xc0: {  	[dreg:$0x1] =	wrdreg $0xFFFFFFFF  }
0xc1: {  	_ =	task.clear_ibuf [dreg:s6], $0x2FFFF;
	_ =	strace $0x9FFFFFFF  }
0xc2: {  	(tm) =	ssettm $0x7FFFFFFF  }
0xc3: {  	_ =	shalt  }
tec
execute0_lowered:
.L_overlay_start_1:
0x0: {  	(tag) =	ssettag $0x1  }
0x1: {  	s9 =	rddreg [dreg:$0x0]  }
0x2: {  	s1 =	rddreg [dreg:$0x1]  }
0x3: {  	s0 =	rddreg [dreg:$0x2];
	s3 =	simm.s32 $0x0  }
0x4: {  	s2 =	srdreg.scid;
	s15 =	simm.s32 $0x2;
	s16 =	simm.s32 $0x80  }
0x5: {  	s17 =	simm.s32 $0x100;
	s18 =	simm.s32 $0x50;
	s19 =	simm.s32 $0x2900  }
0x6: {  	s20 =	simm.s32 $0x1;
	s21 =	simm.s32 $0x19100;
	s22 =	simm.s32 $0x400  }
0x7: {  	s23 =	simm.s32 $0x0;
	s10 =	sand.u32 $0x1, s2;
	s4 =	sadd.s32 $0x521600, s9  }
0x8: {  	s2 =	stileid.u32;
	s5 =	sadd.s32 $0x549600, s9;
	s8 =	smul.u32 $0x140000, s10  }
0x9: {  	[smem:$0x7FF] =	sst s3;
	s7 =	sadd.s32 $0x4E5A00, s9;
	s11 =	smul.u32 $0x14000, s2  }
0xa: {  	_ =	strace $0x80000047;
	s12 =	smul.u32 $0x28000, s10;
	s6 =	sshrl.u32 s2, $0x3  }
0xb: {  	s14 =	sshll.u32 s2, $0x7;
	s26 =	ssub.s32 $0x2, s10;
	s28 =	smul.u32 $0x50000, s2  }
0xc: {  	s10 =	sshll.u32 s10, $0x4;
	s31 =	sshll.u32 s2, $0x6;
	s13 =	smul.u32 $0x14000, s6  }
0xd: {  	s6 =	sadd.s32 $0x4EF800, s9;
	s25 =	sand.u32 $0x380, s14;
	s29 =	sshrl.u32 s26, $0x1  }
0xe: {  	s10 =	sor.u32 s2, s10;
	s11 =	sadd.s32 s11, s8;
	s8 =	sadd.s32 $0x3A00, s9  }
0xf: {  	s30 =	sshrl.u32 s28, $0x2;
	s10 =	smul.u32 $0x2710, s10;
	s12 =	sadd.s32 s12, s13  }
0x10: {  	s11 =	sshrl.u32 s11, $0x3;
	s13 =	ssub.s32 s26, s29;
	s12 =	sor.u32 s25, s12  }
0x11: {  	s14 =	sadd.s32 s30, s1;
	s11 =	sadd.s32 s11, s9;
	s12 =	sshrl.u32 s12, $0x3  }
0x12: {  	s13 =	smax.u32 s13, $0x1;
	s14 =	sshrl.u32 s14, $0x3;
	s12 =	sadd.s32 s12, s9  }
0x13: {  	v0 =	vimm.f32 $0.0e+00;
	v1 =	vimm.f32 $1.000000000e+00;
	s11 =	sadd.s32 $0x6200, s11;
	s9 =	sor.u32 $0x1C02, s31;
	s12 =	sadd.s32 $0x56200, s12  }
.LBB2_1:
0x14: {  	[spmem:s14], [sflag:s9] =	dma.local [hbm:s8], $0x2800  }
0x15: {  	_ =	swait.ge [sflag:s15], $0x2800  }
0x16: {  	[sflag:s15] =	ssyncset.done $0x0  }
0x17: {  	s24 =	simm.s32 $0x19120;
	[sflag:s15] =	ssyncadd.s32 $0xFFFFD800  }
0x18: {  	[tilespmem:s24+$0xFFFFFFE0] =	vst v0  }
0x19: {  	[tilespmem:s24+$0x10] =	vst v0  }
0x1a: {  	s25 =	simm.s32 $0x0;
	[tilespmem:s24+$0x0] =	vst v0  }
.LBB2_2:
0x1b: {  	s25 =	sadd.s32 $0x4, s25  }
0x1c: {  	[tilespmem:s24+$0xFFFFFFF0] =	vst v0;
	s24 =	sadd.s32 $0x40, s24;
	p0 =	slt.u32 s25, $0x27C  }
.Ltmp0:
0x1d: {  	[tilespmem:s24+$0xFFFFFFE0] =	vst v0;
	(pc) =	sbr.rel @p0 .LBB2_2-.Ltmp0, $3  }
0x1e: {  	_ =	sdelay $0x1  }
0x1f: {  	[tilespmem:s24+$0x10] =	vst v0  }
0x20: {  	[tilespmem:s24+$0x0] =	vst v0  }
0x21: {  	[tilespmem:s24+$0xFFFFFFF0] =	vst v0  }
0x22: {  	s24 =	simm.s32 $0x0;
	[bflag:$0x0] =	sbarrier.arrive $0xFFFF  }
.LBB2_4:
0x23: {  	s25 =	smul.u32 $0x50, s24;
	_ =	sdelay $0x1  }
0x24: {  	s25 =	sadd.s32 s10, s25  }
0x25: {  	s26 =	sshrl.u32 s25, $0x3  }
0x26: {  	s28 =	sadd.s32 s6, s26  }
0x27: {  	[tilespmem:s3], [sflag:$0x2] =	stream.linear.gather [hbm4b:s28+s3], $0x50, $0x38;
	[tilespmem:$0x1B900] =	vst v63  }
0x28: {  	_ =	swait.ge [sflag:s15], $0x50  }
0x29: {  	[sflag:s15] =	ssyncset.done $0x0  }
0x2a: {  	s26 =	sadd.s32 s7, s26;
	[sflag:s15] =	ssyncadd.s32 $0xFFFFFFB0  }
0x2b: {  	[tilespmem:s16], [sflag:$0x2] =	stream.linear.gather [hbm4b:s26+s3], $0x50, $0x38;
	[tilespmem:$0x1B900] =	vst v63  }
0x2c: {  	_ =	swait.ge [sflag:s15], $0x50  }
0x2d: {  	s25 =	sshll.u32 s25, $0x4;
	[sflag:s15] =	ssyncset.done $0x0  }
0x2e: {  	s25 =	sadd.s32 s5, s25;
	[sflag:s15] =	ssyncadd.s32 $0xFFFFFFB0  }
0x2f: {  	[tilespmem:s17], [sflag:$0x2] =	stream.linear.gather [hbm4b:s25+s3], $0x2800, $0x38;
	[tilespmem:$0x1B900] =	vst v63  }
0x30: {  	_ =	swait.ge [sflag:s15], $0x2800  }
0x31: {  	[sflag:s15] =	ssyncset.done $0x0  }
0x32: {  	[sflag:s15] =	ssyncadd.s32 $0xFFFFD800  }
0x33: {  	[tilespmem:s19], [sflag:$0x1] =	stream.indirect.gather [hbm4b:s4+s18], $0x80, s3, s18, $0xb8;
	[tilespmem:$0x1B900] =	vst v63  }
0x34: {  	_ =	swait.ge [sflag:s20], $0x2800  }
0x35: {  	[sflag:s20] =	ssyncset.done $0x0  }
0x36: {  	s25 =	simm.s32 $0x120;
	[sflag:s20] =	ssyncadd.s32 $0xFFFFD800  }
0x37: {  	s26 =	simm.s32 $0x2920;
	v2 =	vld [tilespmem:s25+$0xFFFFFFE0]  }
0x38: {  	v3 =	vld [tilespmem:s26+$0xFFFFFFE0];
	_ =	sdelay $0x4  }
0x39: {  	v2 =	vadd.f32 v3, v2;
	_ =	sdelay $0x1  }
0x3a: {  	v2 =	vmax.f32 v2, $0.0e+00  }
0x3b: {  	[tilespmem:s25+$0xFFFFFFE0] =	vst v2;
	v2 =	vld [tilespmem:s25+$0xFFFFFFF0]  }
0x3c: {  	v3 =	vld [tilespmem:s26+$0xFFFFFFF0];
	_ =	sdelay $0x4  }
0x3d: {  	v2 =	vadd.f32 v3, v2;
	_ =	sdelay $0x1  }
0x3e: {  	v2 =	vmax.f32 v2, $0.0e+00  }
0x3f: {  	[tilespmem:s25+$0xFFFFFFF0] =	vst v2;
	v2 =	vld [tilespmem:s25+$0x0]  }
0x40: {  	v3 =	vld [tilespmem:s26+$0x0];
	_ =	sdelay $0x4  }
0x41: {  	v2 =	vadd.f32 v3, v2;
	_ =	sdelay $0x1  }
0x42: {  	v2 =	vmax.f32 v2, $0.0e+00  }
0x43: {  	[tilespmem:s25+$0x0] =	vst v2;
	v2 =	vld [tilespmem:s25+$0x10]  }
0x44: {  	v3 =	vld [tilespmem:s26+$0x10];
	_ =	sdelay $0x4  }
0x45: {  	v2 =	vadd.f32 v3, v2;
	_ =	sdelay $0x1  }
0x46: {  	s29 =	simm.s32 $0x160;
	s28 =	simm.s32 $0x0;
	v2 =	vmax.f32 v2, $0.0e+00  }
.LBB2_5:
0x47: {  	v3 =	vld [tilespmem:s29+$0xFFFFFFE0];
	[tilespmem:s25+$0x10] =	vst v2;
	s26 =	sadd.s32 $0x40, s26;
	s25 =	smov.u32 s29  }
0x48: {  	s28 =	sadd.s32 $0x4, s28;
	v2 =	vld [tilespmem:s26+$0xFFFFFFE0]  }
0x49: {  	p0 =	slt.u32 s28, $0x27C;
	_ =	sdelay $0x3  }
0x4a: {  	v2 =	vadd.f32 v2, v3;
	_ =	sdelay $0x1  }
0x4b: {  	v2 =	vmax.f32 v2, $0.0e+00  }
0x4c: {  	[tilespmem:s29+$0xFFFFFFE0] =	vst v2;
	v2 =	vld [tilespmem:s29+$0xFFFFFFF0]  }
0x4d: {  	v3 =	vld [tilespmem:s26+$0xFFFFFFF0];
	_ =	sdelay $0x4  }
0x4e: {  	v2 =	vadd.f32 v3, v2;
	_ =	sdelay $0x1  }
0x4f: {  	v2 =	vmax.f32 v2, $0.0e+00  }
0x50: {  	[tilespmem:s29+$0xFFFFFFF0] =	vst v2;
	v2 =	vld [tilespmem:s29+$0x0]  }
0x51: {  	v3 =	vld [tilespmem:s26+$0x0];
	_ =	sdelay $0x4  }
0x52: {  	v2 =	vadd.f32 v3, v2;
	_ =	sdelay $0x1  }
0x53: {  	v2 =	vmax.f32 v2, $0.0e+00  }
0x54: {  	[tilespmem:s29+$0x0] =	vst v2;
	v2 =	vld [tilespmem:s29+$0x10]  }
0x55: {  	v3 =	vld [tilespmem:s26+$0x10];
	_ =	sdelay $0x2  }
.Ltmp1:
0x56: {  	(pc) =	sbr.rel @p0 .LBB2_5-.Ltmp1, $3  }
0x57: {  	_ = 	snop  }
0x58: {  	v2 =	vadd.f32 v3, v2;
	_ =	sdelay $0x1  }
0x59: {  	s29 =	sadd.s32 $0x40, s29;
	v2 =	vmax.f32 v2, $0.0e+00  }
0x5a: {  	[tilespmem:s25+$0x10] =	vst v2  }
0x5b: {  	[spmem:s1] =	stream.indirect.scatter.add.f32 [tilespmem:s17], [sflag:$0x2], $0x80, s16, s18, $0xb8;
	[tilespmem:$0x1B900] =	vst v63  }
0x5c: {  	_ =	swait.ge [sflag:s15], $0x2800  }
0x5d: {  	[sflag:s15] =	ssyncset.done $0x0  }
0x5e: {  	[sflag:s15] =	ssyncadd.s32 $0xFFFFD800  }
0x5f: {  	v2 =	vld [tilespmem:$0x80];
	_ =	sdelay $0x7  }
0x60: {  	[tilespmem:v2+s21+$0x0] =	vst.idx.add.f32.msk $0xffff, v1  }
0x61: {  	v2 =	vld [tilespmem:$0x90];
	_ =	sdelay $0x7  }
0x62: {  	[tilespmem:v2+s21+$0x0] =	vst.idx.add.f32.msk $0xffff, v1  }
0x63: {  	v2 =	vld [tilespmem:$0xA0];
	_ =	sdelay $0x7  }
0x64: {  	[tilespmem:v2+s21+$0x0] =	vst.idx.add.f32.msk $0xffff, v1  }
0x65: {  	v2 =	vld [tilespmem:$0xB0];
	_ =	sdelay $0x7  }
0x66: {  	[tilespmem:v2+s21+$0x0] =	vst.idx.add.f32.msk $0xffff, v1  }
0x67: {  	v2 =	vld [tilespmem:$0xC0];
	_ =	sdelay $0x1  }
0x68: {  	s24 =	sadd.s32 $0x1, s24  }
0x69: {  	p0 =	sne.s32 s24, $0x7D  }
.Ltmp2:
0x6a: {  	_ = 	snop;
	(pc) =	sbr.rel @p0 .LBB2_4-.Ltmp2, $2  }
0x6b: {  	_ =	sdelay $0x2  }
0x6c: {  	[tilespmem:v2+s21+$0x0] =	vst.idx.add.f32.msk $0xffff, v1  }
0x6d: {  	[bflag:$0x0] =	sbarrier.arrive $0xFFFF  }
0x6e: {  	[hbm:s11], [sflag:s9] =	dma.local [spmem:s14], $0x2800  }
0x6f: {  	s23 =	sadd.s32 $0x1, s23;
	_ =	swait.ge [sflag:s15], $0x2800  }
0x70: {  	p0 =	sne.s32 s23, s13;
	[sflag:s15] =	ssyncset.done $0x0  }
.Ltmp3:
0x71: {  	[sflag:s15] =	ssyncadd.s32 $0xFFFFD800;
	(pc) =	sbr.rel @p0 .LBB2_1-.Ltmp3, $4  }
0x72: {  	[hbm4b:s12+s16] =	stream.strided.scatter [tilespmem:s21], [sflag:$0x2], $0x2800, s22, s16, $0x38;
	[tilespmem:$0x1B900] =	vst v63  }
0x73: {  	_ =	swait.ge [sflag:s15], $0x2800  }
0x74: {  	[sflag:s15] =	ssyncset.done $0x0  }
0x75: {  	[sflag:s15] =	ssyncadd.s32 $0xFFFFD800  }
0x76: {  	_ =	sfence.sel $0x180000  }
0x77: {  	[bflag:$0x0] =	sbarrier.arrive $0xFFFF  }
0x78: {  	p0 =	sne.s32 s2, $0x0;
	_ =	strace $0x90000047  }
0x79: {  	s0 =	sadd.s32 @!p0 $0x100000, s0;
	[bflag:$0x2] =	sbarrier.arrive $0xFFFF  }
0x7a: {  	[sflag:s0] =	ssyncadd.tile.s32 @!p0 $0x1;
	_ =	shalt  }
.Lfunc_end2:
_tile_overlayer_lowered:
.L_overlay_start_2:
0x7b: {  	(tag) =	ssettag $0x2  }
0x7c: {  	s0 =	rddreg [dreg:$0x0];
	s2 =	stileid.u32  }
0x7d: {  	s1 =	rddreg [dreg:$0x1];
	p0 =	sne.s32 s2, $0x0  }
0x7e: {  	s3 =	rddreg [dreg:$0x2];
	[bflag:$0x3] =	sbarrier.arrive $0xFFFF;
	s2 =	simm.s32 @!p0 $0x1C02  }
0x7f: {  	[timem:s3], [sflag:s2] =	dma.local @!p0 [hbm:s0], s1  }
0x80: {  	s0 =	simm.s32 @!p0 $0x2  }
0x81: {  	_ =	swait.ge @!p0 [sflag:s0], s1  }
0x82: {  	s1 =	ssub.s32 @!p0 $0x0, s1;
	[sflag:s0] =	ssyncset.done @!p0 $0x0  }
0x83: {  	[sflag:s0] =	ssyncadd.s32 @!p0 s1  }
0x84: {  	[bflag:$0x3] =	sbarrier.arrive $0xFFFF  }
0x85: {  	_ =	shalt  }

</sc_bundles>
